<compile_context>
chip_gen: v7x
topology: tpu7x:2x2x1
jax: 0.10.2.dev20260603
libtpu: 0.0.44.dev20260713+nightly
codegen_flags: <defaults>
</compile_context>

<pallas_src>
import jax
import jax.numpy as jnp
from jax.experimental import pallas as pl
from jax.experimental.pallas import tpu as pltpu

_CLASS_RADIUS = (0.8, 0.6, 0.4)
_N = 5000
_NP = 5120
_B = 512
_NBLK = _NP // _B


def _nms_body(dataR_ref, dataT_ref, rank_ref, combo_ref,
              keep_out_ref, combo_out_ref, keep_s):
    keep_s[...] = jnp.ones((1, _NP), jnp.float32)
    dataR = dataR_ref[...][0]
    dataT = dataT_ref[...][0]

    for blk in range(_NBLK):
        i0 = blk * _B
        w = _NP - i0
        dx = dataR[i0:i0 + _B, 0:1] - dataT[0:1, i0:]
        dy = dataR[i0:i0 + _B, 1:2] - dataT[1:2, i0:]
        dz = dataR[i0:i0 + _B, 2:3] - dataT[2:3, i0:]
        d2 = dx * dx + dy * dy + dz * dz
        ri = dataR[i0:i0 + _B, 3:4]
        li = dataR[i0:i0 + _B, 4:5]
        lj = dataT[4:5, i0:]
        ii = jax.lax.broadcasted_iota(jnp.int32, (_B, w), 0)
        jj = jax.lax.broadcasted_iota(jnp.int32, (_B, w), 1)
        sup = (d2 < ri * ri) & (li == lj) & (jj > ii)
        supf = sup.astype(jnp.float32)

        s_intra = supf[:, :_B]
        k0 = keep_s[0:1, i0:i0 + _B]
        k0_8 = jnp.broadcast_to(k0, (8, _B))

        def cond(carry):
            _, done = carry
            return jnp.logical_not(done)

        def body(carry):
            k, _ = carry
            t = jnp.dot(k, s_intra, preferred_element_type=jnp.float32)
            k_new = k0_8 * (t == 0.0).astype(jnp.float32)
            return k_new, jnp.all(k_new == k)

        k_fix, _ = jax.lax.while_loop(cond, body, (k0_8, jnp.bool_(False)))

        counts = jnp.dot(k_fix, supf, preferred_element_type=jnp.float32)
        alive = (counts[0:1, :] == 0.0).astype(jnp.float32)
        keep_s[0:1, i0:] = keep_s[0:1, i0:] * alive

    keep_row = keep_s[0:1, :]
    for blk in range(_NBLK):
        i0 = blk * _B
        rk = rank_ref[0, i0:i0 + _B, 0:1]
        jidx = jax.lax.broadcasted_iota(jnp.int32, (_B, _NP), 1)
        onehot = (rk == jidx).astype(jnp.float32)
        kb = jnp.sum(onehot * keep_row, axis=1, keepdims=True)
        keep_out_ref[0, i0:i0 + _B, :] = kb
        combo_out_ref[0, i0:i0 + _B, :] = combo_ref[0, i0:i0 + _B, :] * kb


def _mask_body(f_ref, k_ref, o_ref):
    o_ref[...] = f_ref[...] * k_ref[...]


def kernel(centers, centers_features, cls_preds):
    bt, n, _ = centers.shape
    radii = jnp.array(_CLASS_RADIUS, dtype=jnp.float32)

    scores = jnp.max(cls_preds, axis=-1)
    labels = jnp.argmax(cls_preds, axis=-1).astype(jnp.int32)
    order = jnp.argsort(-scores, axis=-1)
    rank = jnp.argsort(order, axis=-1).astype(jnp.int32)

    c_s = jnp.take_along_axis(centers, order[..., None], axis=1)
    l_s = jnp.take_along_axis(labels, order, axis=1)
    r_s = radii[l_s]

    pad = _NP - n
    xyz = jnp.pad(c_s, ((0, 0), (0, pad), (0, 0)), constant_values=1e9)
    rr = jnp.pad(r_s, ((0, 0), (0, pad)))[..., None]
    ll = jnp.pad(l_s.astype(jnp.float32), ((0, 0), (0, pad)),
                 constant_values=-1.0)[..., None]
    z3 = jnp.zeros((bt, _NP, 3), jnp.float32)
    dataR = jnp.concatenate([xyz, rr, ll, z3], axis=-1)
    dataT = jnp.transpose(dataR, (0, 2, 1))

    rankp = jnp.pad(rank, ((0, 0), (0, pad)), constant_values=n)[..., None]

    combo = jnp.concatenate(
        [centers, cls_preds, jnp.zeros((bt, n, 2), jnp.float32)], axis=-1)
    combo = jnp.pad(combo, ((0, 0), (0, pad), (0, 0)))

    keep_col, combo_out = pl.pallas_call(
        _nms_body,
        grid=(bt,),
        in_specs=[
            pl.BlockSpec((1, _NP, 8), lambda b: (b, 0, 0)),
            pl.BlockSpec((1, 8, _NP), lambda b: (b, 0, 0)),
            pl.BlockSpec((1, _NP, 1), lambda b: (b, 0, 0)),
            pl.BlockSpec((1, _NP, 8), lambda b: (b, 0, 0)),
        ],
        out_specs=[
            pl.BlockSpec((1, _NP, 1), lambda b: (b, 0, 0)),
            pl.BlockSpec((1, _NP, 8), lambda b: (b, 0, 0)),
        ],
        out_shape=[
            jax.ShapeDtypeStruct((bt, _NP, 1), jnp.float32),
            jax.ShapeDtypeStruct((bt, _NP, 8), jnp.float32),
        ],
        scratch_shapes=[pltpu.VMEM((1, _NP), jnp.float32)],
    )(dataR, dataT, rankp, combo)

    keep_n = keep_col[:, :n, :]
    filtered_centers = combo_out[:, :n, 0:3]
    filtered_cls = combo_out[:, :n, 3:6]

    rblk = 1000
    feat_out = pl.pallas_call(
        _mask_body,
        grid=(bt, n // rblk),
        in_specs=[
            pl.BlockSpec((1, rblk, 512), lambda b, j: (b, j, 0)),
            pl.BlockSpec((1, rblk, 1), lambda b, j: (b, j, 0)),
        ],
        out_specs=pl.BlockSpec((1, rblk, 512), lambda b, j: (b, j, 0)),
        out_shape=jax.ShapeDtypeStruct((bt, n, 512), jnp.float32),
    )(centers_features, keep_n)

    keep = keep_n[..., 0] > 0.5
    return filtered_centers, feat_out, filtered_cls, keep

# --- scband reference (transcript-rebuilt; emitter-appended) ---
"""Pipeline reference for scband-iassd-backbone-2113123910213 (READ-ONLY COPY).

The authoritative reference and input builder live on the scoring server;
editing this copy changes nothing except your own understanding.
"""

import jax, jax.numpy as jnp
import numpy as np

NUM_CLASS = 3
# class_radius dict from the torch module (default 0.6); per-class radii
CLASS_RADIUS = jnp.array([0.8, 0.6, 0.4], dtype=jnp.float32)


def setup_inputs(seed: int = 0) -> dict:
    key = jax.random.key(seed)
    k1, k2, k3 = jax.random.split(key, 3)
    centers = jax.random.normal(k1, (4, 5000, 3), dtype=jnp.float32) * 10.0
    centers_features = jax.random.normal(k2, (4, 5000, 512), dtype=jnp.float32)
    cls_preds = jax.random.normal(k3, (4, 5000, NUM_CLASS), dtype=jnp.float32)
    return {"centers": centers, "centers_features": centers_features, "cls_preds": cls_preds}


def _nms_keep(centers, cls_preds):
    """Greedy class-aware distance-based keypoint suppression for one batch element.
    Faithful fixed-shape translation of suppress_non_essential_keypoints: process
    keypoints in descending score order; each surviving keypoint removes later
    same-class keypoints within its class radius."""
    N = centers.shape[0]
    scores = jnp.max(cls_preds, axis=1)
    labels = jnp.argmax(cls_preds, axis=1)
    order = jnp.argsort(-scores)  # descending by score
    c = centers[order]
    l = labels[order]
    idx = jnp.arange(N)

    def body(i, keep):
        valid = keep[i]
        d = jnp.linalg.norm(c - c[i], axis=1)
        r = CLASS_RADIUS[l[i]]
        rm = (d < r) & (l == l[i]) & (idx > i) & valid
        return keep & (~rm)

    keep_sorted = jax.lax.fori_loop(0, N, body, jnp.ones((N,), dtype=bool))
    # scatter back to original (unsorted) order
    keep = jnp.zeros((N,), dtype=bool).at[order].set(keep_sorted)
    return keep


def reference(centers, centers_features, cls_preds):
    # vmap the per-batch greedy NMS over the batch dimension
    keep = jax.vmap(_nms_keep)(centers, cls_preds)
    m = keep[..., None].astype(centers.dtype)
    # fixed-shape analogue of the ragged filtered outputs: suppressed rows zeroed
    filtered_centers = centers * m
    filtered_features = centers_features * m
    filtered_cls_preds = cls_preds * m
    return filtered_centers, filtered_features, filtered_cls_preds, keep

if __name__ == "__main__":
    import jax
    _d = setup_inputs()
    print(jax.jit(kernel)(*tuple(_d.values())))

</pallas_src>

<mosaic_0001>
module attributes {stable_mosaic.version = 14 : i64} {
  func.func @_nms_body(%arg0: i32, %arg1: memref<1x5120x8xf32, #tpu.memory_space<vmem>>, %arg2: memref<1x8x5120xf32, #tpu.memory_space<vmem>>, %arg3: memref<1x5120x1xi32, #tpu.memory_space<vmem>>, %arg4: memref<1x5120x8xf32, #tpu.memory_space<vmem>>, %arg5: memref<1x5120x1xf32, #tpu.memory_space<vmem>>, %arg6: memref<1x5120x8xf32, #tpu.memory_space<vmem>>, %arg7: memref<1x5120xf32, #tpu.memory_space<vmem>>) attributes {dimension_semantics = [#tpu.dimension_semantics<arbitrary>], iteration_bounds = array<i64: 4>, scalar_prefetch = 0 : i64, scratch_operands = 1 : i64, tpu.core_type = #tpu.core_type<tc>, window_params = [{transform_indices = @transform_0, window_bounds = array<i64: 1, 5120, 8>}, {transform_indices = @transform_1, window_bounds = array<i64: 1, 8, 5120>}, {transform_indices = @transform_2, window_bounds = array<i64: 1, 5120, 1>}, {transform_indices = @transform_3, window_bounds = array<i64: 1, 5120, 8>}, {transform_indices = @transform_4, window_bounds = array<i64: 1, 5120, 1>}, {transform_indices = @transform_5, window_bounds = array<i64: 1, 5120, 8>}]} {
    %broadcast_in_dim3A = arith.constant 1.000000e+00 : f32
    %broadcast_in_dim3A_0 = vector.broadcast %broadcast_in_dim3A : f32 to vector<1x5120xf32>
    %swap3A = arith.constant 0 : index
    %swap3A_1 = arith.constant 0 : index
    %swap3A_2 = vector.load %arg7[%swap3A, %swap3A_1] : memref<1x5120xf32, #tpu.memory_space<vmem>>, vector<1x5120xf32>
    tpu.vector_store %arg7[%swap3A, %swap3A_1], %broadcast_in_dim3A_0 {strides = array<i32>} : memref<1x5120xf32, #tpu.memory_space<vmem>>, vector<1x5120xf32>,
    %get3A = arith.constant 0 : index
    %get3A_3 = arith.constant 0 : index
    %get3A_4 = arith.constant 0 : index
    %get3A_5 = vector.load %arg1[%get3A, %get3A_3, %get3A_4] : memref<1x5120x8xf32, #tpu.memory_space<vmem>>, vector<1x5120x8xf32>
    %squeeze3A = vector.shape_cast %get3A_5 : vector<1x5120x8xf32> to vector<5120x8xf32>
    %get3A_6 = arith.constant 0 : index
    %get3A_7 = arith.constant 0 : index
    %get3A_8 = arith.constant 0 : index
    %get3A_9 = vector.load %arg2[%get3A_6, %get3A_7, %get3A_8] : memref<1x8x5120xf32, #tpu.memory_space<vmem>>, vector<1x8x5120xf32>
    %squeeze3A_10 = vector.shape_cast %get3A_9 : vector<1x8x5120xf32> to vector<8x5120xf32>
    %slice3A = vector.extract_strided_slice %squeeze3A {offsets = [0, 0], sizes = [512, 1], strides = [1, 1]} : vector<5120x8xf32> to vector<512x1xf32>
    %slice3A_11 = vector.extract_strided_slice %squeeze3A_10 {offsets = [0, 0], sizes = [1, 5120], strides = [1, 1]} : vector<8x5120xf32> to vector<1x5120xf32>
    %sub3A = vector.broadcast %slice3A : vector<512x1xf32> to vector<512x5120xf32>
    %sub3A_12 = vector.broadcast %slice3A_11 : vector<1x5120xf32> to vector<512x5120xf32>
    %sub3A_13 = arith.subf %sub3A, %sub3A_12 : vector<512x5120xf32>
    %slice3A_14 = vector.extract_strided_slice %squeeze3A {offsets = [0, 1], sizes = [512, 1], strides = [1, 1]} : vector<5120x8xf32> to vector<512x1xf32>
    %slice3A_15 = vector.extract_strided_slice %squeeze3A_10 {offsets = [1, 0], sizes = [1, 5120], strides = [1, 1]} : vector<8x5120xf32> to vector<1x5120xf32>
    %sub3A_16 = vector.broadcast %slice3A_14 : vector<512x1xf32> to vector<512x5120xf32>
    %sub3A_17 = vector.broadcast %slice3A_15 : vector<1x5120xf32> to vector<512x5120xf32>
    %sub3A_18 = arith.subf %sub3A_16, %sub3A_17 : vector<512x5120xf32>
    %slice3A_19 = vector.extract_strided_slice %squeeze3A {offsets = [0, 2], sizes = [512, 1], strides = [1, 1]} : vector<5120x8xf32> to vector<512x1xf32>
    %slice3A_20 = vector.extract_strided_slice %squeeze3A_10 {offsets = [2, 0], sizes = [1, 5120], strides = [1, 1]} : vector<8x5120xf32> to vector<1x5120xf32>
    %sub3A_21 = vector.broadcast %slice3A_19 : vector<512x1xf32> to vector<512x5120xf32>
    %sub3A_22 = vector.broadcast %slice3A_20 : vector<1x5120xf32> to vector<512x5120xf32>
    %sub3A_23 = arith.subf %sub3A_21, %sub3A_22 : vector<512x5120xf32>
    %mul3A = arith.mulf %sub3A_13, %sub3A_13 : vector<512x5120xf32>
    %mul3A_24 = arith.mulf %sub3A_18, %sub3A_18 : vector<512x5120xf32>
    %add3A = arith.addf %mul3A, %mul3A_24 : vector<512x5120xf32>
    %mul3A_25 = arith.mulf %sub3A_23, %sub3A_23 : vector<512x5120xf32>
    %add3A_26 = arith.addf %add3A, %mul3A_25 : vector<512x5120xf32>
    %slice3A_27 = vector.extract_strided_slice %squeeze3A {offsets = [0, 3], sizes = [512, 1], strides = [1, 1]} : vector<5120x8xf32> to vector<512x1xf32>
    %slice3A_28 = vector.extract_strided_slice %squeeze3A {offsets = [0, 4], sizes = [512, 1], strides = [1, 1]} : vector<5120x8xf32> to vector<512x1xf32>
    %slice3A_29 = vector.extract_strided_slice %squeeze3A_10 {offsets = [4, 0], sizes = [1, 5120], strides = [1, 1]} : vector<8x5120xf32> to vector<1x5120xf32>
    %iota3A = tpu.iota {dimensions = array<i32: 0>} : vector<512x5120xi32>
    %iota3A_30 = tpu.iota {dimensions = array<i32: 1>} : vector<512x5120xi32>
    %mul3A_31 = arith.mulf %slice3A_27, %slice3A_27 : vector<512x1xf32>
    %lt3A = vector.broadcast %mul3A_31 : vector<512x1xf32> to vector<512x5120xf32>
    %lt3A_32 = arith.cmpf olt, %add3A_26, %lt3A : vector<512x5120xf32>
    %eq3A = vector.broadcast %slice3A_28 : vector<512x1xf32> to vector<512x5120xf32>
    %eq3A_33 = vector.broadcast %slice3A_29 : vector<1x5120xf32> to vector<512x5120xf32>
    %eq3A_34 = arith.cmpf oeq, %eq3A, %eq3A_33 : vector<512x5120xf32>
    %and3A = arith.andi %lt3A_32, %eq3A_34 : vector<512x5120xi1>
    %gt3A = arith.cmpi sgt, %iota3A_30, %iota3A : vector<512x5120xi32>
    %and3A_35 = arith.andi %and3A, %gt3A : vector<512x5120xi1>
    %convert_element_type3A = arith.extui %and3A_35 : vector<512x5120xi1> to vector<512x5120xi32>
    %convert_element_type3A_36 = arith.sitofp %convert_element_type3A : vector<512x5120xi32> to vector<512x5120xf32>
    %slice3A_37 = vector.extract_strided_slice %convert_element_type3A_36 {offsets = [0, 0], sizes = [512, 512], strides = [1, 1]} : vector<512x5120xf32> to vector<512x512xf32>
    %get3A_38 = arith.constant 0 : index
    %get3A_39 = arith.constant 0 : index
    %get3A_40 = vector.load %arg7[%get3A_38, %get3A_39] : memref<1x5120xf32, #tpu.memory_space<vmem>>, vector<1x512xf32>
    %broadcast_in_dim3A_41 = vector.shape_cast %get3A_40 : vector<1x512xf32> to vector<1x512xf32>
    %broadcast_in_dim3A_42 = vector.broadcast %broadcast_in_dim3A_41 : vector<1x512xf32> to vector<8x512xf32>
    %while3A = arith.constant false
    %while3A_43:2 = scf.while (%while3A_930 = %broadcast_in_dim3A_42, %while3A_931 = %while3A) : (vector<8x512xf32>, i1) -> (vector<8x512xf32>, i1) {
      %not3A = arith.constant true
      %not3A_932 = arith.xori %while3A_931, %not3A : i1
      scf.condition(%not3A_932) %while3A_930, %while3A_931 : vector<8x512xf32>, i1
    } do {
    ^bb0(%while3A_930: vector<8x512xf32>, %while3A_931: i1):
      %dot_general3A_932 = arith.constant dense<0.000000e+00> : vector<8x512xf32>
      %dot_general3A_933 = tpu.matmul %while3A_930, %slice3A_37, %dot_general3A_932 {dimension_numbers = #tpu.dot_dimension_numbers<[1], [0], [0], [1], [0, 0, 1, 1], [], []>, transpose_lhs_hint = false} : vector<8x512xf32>, vector<512x512xf32>, vector<8x512xf32> -> vector<8x512xf32>
      %eq3A_934 = arith.constant 0.000000e+00 : f32
      %eq3A_935 = vector.broadcast %eq3A_934 : f32 to vector<8x512xf32>
      %eq3A_936 = arith.cmpf oeq, %dot_general3A_933, %eq3A_935 : vector<8x512xf32>
      %convert_element_type3A_937 = arith.extui %eq3A_936 : vector<8x512xi1> to vector<8x512xi32>
      %convert_element_type3A_938 = arith.sitofp %convert_element_type3A_937 : vector<8x512xi32> to vector<8x512xf32>
      %mul3A_939 = arith.mulf %broadcast_in_dim3A_42, %convert_element_type3A_938 : vector<8x512xf32>
      %eq3A_940 = arith.cmpf oeq, %mul3A_939, %while3A_930 : vector<8x512xf32>
      %reduce_and3A = arith.constant 1.000000e+00 : f32
      %reduce_and3A_941 = arith.constant 0.000000e+00 : f32
      %reduce_and3A_942 = vector.broadcast %reduce_and3A : f32 to vector<8x512xf32>
      %reduce_and3A_943 = vector.broadcast %reduce_and3A_941 : f32 to vector<8x512xf32>
      %reduce_and3A_944 = arith.select %eq3A_940, %reduce_and3A_942, %reduce_and3A_943 : vector<8x512xi1>, vector<8x512xf32>
      %reduce_and3A_945 = vector.shape_cast %reduce_and3A_944 : vector<8x512xf32> to vector<1x8x512xf32>
      %reduce_and3A_946 = arith.constant dense<0x7F800000> : vector<1xf32>
      %reduce_and3A_947 = vector.multi_reduction <minimumf>, %reduce_and3A_945, %reduce_and3A_946 [1, 2] : vector<1x8x512xf32> to vector<1xf32>
      %reduce_and3A_948 = vector.shape_cast %reduce_and3A_947 : vector<1xf32> to vector<1x1x1xf32>
      %reduce_and3A_949 = vector.extract %reduce_and3A_948[0, 0, 0] : f32 from vector<1x1x1xf32>
      %reduce_and3A_950 = arith.constant 0.000000e+00 : f32
      %reduce_and3A_951 = arith.cmpf ogt, %reduce_and3A_949, %reduce_and3A_950 : f32
      scf.yield %mul3A_939, %reduce_and3A_951 : vector<8x512xf32>, i1
    }
    %dot_general3A = arith.constant dense<0.000000e+00> : vector<8x5120xf32>
    %dot_general3A_44 = tpu.matmul %while3A_43#0, %convert_element_type3A_36, %dot_general3A {dimension_numbers = #tpu.dot_dimension_numbers<[1], [0], [0], [1], [0, 0, 1, 1], [], []>, transpose_lhs_hint = false} : vector<8x512xf32>, vector<512x5120xf32>, vector<8x5120xf32> -> vector<8x5120xf32>
    %slice3A_45 = vector.extract_strided_slice %dot_general3A_44 {offsets = [0, 0], sizes = [1, 5120], strides = [1, 1]} : vector<8x5120xf32> to vector<1x5120xf32>
    %eq3A_46 = arith.constant 0.000000e+00 : f32
    %eq3A_47 = vector.broadcast %eq3A_46 : f32 to vector<1x5120xf32>
    %eq3A_48 = arith.cmpf oeq, %slice3A_45, %eq3A_47 : vector<1x5120xf32>
    %convert_element_type3A_49 = arith.extui %eq3A_48 : vector<1x5120xi1> to vector<1x5120xi32>
    %convert_element_type3A_50 = arith.sitofp %convert_element_type3A_49 : vector<1x5120xi32> to vector<1x5120xf32>
    %get3A_51 = arith.constant 0 : index
    %get3A_52 = arith.constant 0 : index
    %get3A_53 = vector.load %arg7[%get3A_51, %get3A_52] : memref<1x5120xf32, #tpu.memory_space<vmem>>, vector<1x5120xf32>
    %mul3A_54 = arith.mulf %get3A_53, %convert_element_type3A_50 : vector<1x5120xf32>
    %swap3A_55 = arith.constant 0 : index
    %swap3A_56 = arith.constant 0 : index
    %swap3A_57 = vector.load %arg7[%swap3A_55, %swap3A_56] : memref<1x5120xf32, #tpu.memory_space<vmem>>, vector<1x5120xf32>
    tpu.vector_store %arg7[%swap3A_55, %swap3A_56], %mul3A_54 {strides = array<i32>} : memref<1x5120xf32, #tpu.memory_space<vmem>>, vector<1x5120xf32>,
    %slice3A_58 = vector.extract_strided_slice %squeeze3A {offsets = [512, 0], sizes = [512, 1], strides = [1, 1]} : vector<5120x8xf32> to vector<512x1xf32>
    %slice3A_59 = vector.extract_strided_slice %squeeze3A_10 {offsets = [0, 512], sizes = [1, 4608], strides = [1, 1]} : vector<8x5120xf32> to vector<1x4608xf32>
    %sub3A_60 = vector.broadcast %slice3A_58 : vector<512x1xf32> to vector<512x4608xf32>
    %sub3A_61 = vector.broadcast %slice3A_59 : vector<1x4608xf32> to vector<512x4608xf32>
    %sub3A_62 = arith.subf %sub3A_60, %sub3A_61 : vector<512x4608xf32>
    %slice3A_63 = vector.extract_strided_slice %squeeze3A {offsets = [512, 1], sizes = [512, 1], strides = [1, 1]} : vector<5120x8xf32> to vector<512x1xf32>
    %slice3A_64 = vector.extract_strided_slice %squeeze3A_10 {offsets = [1, 512], sizes = [1, 4608], strides = [1, 1]} : vector<8x5120xf32> to vector<1x4608xf32>
    %sub3A_65 = vector.broadcast %slice3A_63 : vector<512x1xf32> to vector<512x4608xf32>
    %sub3A_66 = vector.broadcast %slice3A_64 : vector<1x4608xf32> to vector<512x4608xf32>
    %sub3A_67 = arith.subf %sub3A_65, %sub3A_66 : vector<512x4608xf32>
    %slice3A_68 = vector.extract_strided_slice %squeeze3A {offsets = [512, 2], sizes = [512, 1], strides = [1, 1]} : vector<5120x8xf32> to vector<512x1xf32>
    %slice3A_69 = vector.extract_strided_slice %squeeze3A_10 {offsets = [2, 512], sizes = [1, 4608], strides = [1, 1]} : vector<8x5120xf32> to vector<1x4608xf32>
    %sub3A_70 = vector.broadcast %slice3A_68 : vector<512x1xf32> to vector<512x4608xf32>
    %sub3A_71 = vector.broadcast %slice3A_69 : vector<1x4608xf32> to vector<512x4608xf32>
    %sub3A_72 = arith.subf %sub3A_70, %sub3A_71 : vector<512x4608xf32>
    %mul3A_73 = arith.mulf %sub3A_62, %sub3A_62 : vector<512x4608xf32>
    %mul3A_74 = arith.mulf %sub3A_67, %sub3A_67 : vector<512x4608xf32>
    %add3A_75 = arith.addf %mul3A_73, %mul3A_74 : vector<512x4608xf32>
    %mul3A_76 = arith.mulf %sub3A_72, %sub3A_72 : vector<512x4608xf32>
    %add3A_77 = arith.addf %add3A_75, %mul3A_76 : vector<512x4608xf32>
    %slice3A_78 = vector.extract_strided_slice %squeeze3A {offsets = [512, 3], sizes = [512, 1], strides = [1, 1]} : vector<5120x8xf32> to vector<512x1xf32>
    %slice3A_79 = vector.extract_strided_slice %squeeze3A {offsets = [512, 4], sizes = [512, 1], strides = [1, 1]} : vector<5120x8xf32> to vector<512x1xf32>
    %slice3A_80 = vector.extract_strided_slice %squeeze3A_10 {offsets = [4, 512], sizes = [1, 4608], strides = [1, 1]} : vector<8x5120xf32> to vector<1x4608xf32>
    %iota3A_81 = tpu.iota {dimensions = array<i32: 0>} : vector<512x4608xi32>
    %iota3A_82 = tpu.iota {dimensions = array<i32: 1>} : vector<512x4608xi32>
    %mul3A_83 = arith.mulf %slice3A_78, %slice3A_78 : vector<512x1xf32>
    %lt3A_84 = vector.broadcast %mul3A_83 : vector<512x1xf32> to vector<512x4608xf32>
    %lt3A_85 = arith.cmpf olt, %add3A_77, %lt3A_84 : vector<512x4608xf32>
    %eq3A_86 = vector.broadcast %slice3A_79 : vector<512x1xf32> to vector<512x4608xf32>
    %eq3A_87 = vector.broadcast %slice3A_80 : vector<1x4608xf32> to vector<512x4608xf32>
    %eq3A_88 = arith.cmpf oeq, %eq3A_86, %eq3A_87 : vector<512x4608xf32>
    %and3A_89 = arith.andi %lt3A_85, %eq3A_88 : vector<512x4608xi1>
    %gt3A_90 = arith.cmpi sgt, %iota3A_82, %iota3A_81 : vector<512x4608xi32>
    %and3A_91 = arith.andi %and3A_89, %gt3A_90 : vector<512x4608xi1>
    %convert_element_type3A_92 = arith.extui %and3A_91 : vector<512x4608xi1> to vector<512x4608xi32>
    %convert_element_type3A_93 = arith.sitofp %convert_element_type3A_92 : vector<512x4608xi32> to vector<512x4608xf32>
    %slice3A_94 = vector.extract_strided_slice %convert_element_type3A_93 {offsets = [0, 0], sizes = [512, 512], strides = [1, 1]} : vector<512x4608xf32> to vector<512x512xf32>
    %get3A_95 = arith.constant 0 : index
    %get3A_96 = arith.constant 512 : index
    %get3A_97 = vector.load %arg7[%get3A_95, %get3A_96] : memref<1x5120xf32, #tpu.memory_space<vmem>>, vector<1x512xf32>
    %broadcast_in_dim3A_98 = vector.shape_cast %get3A_97 : vector<1x512xf32> to vector<1x512xf32>
    %broadcast_in_dim3A_99 = vector.broadcast %broadcast_in_dim3A_98 : vector<1x512xf32> to vector<8x512xf32>
    %while3A_100 = arith.constant false
    %while3A_101:2 = scf.while (%while3A_930 = %broadcast_in_dim3A_99, %while3A_931 = %while3A_100) : (vector<8x512xf32>, i1) -> (vector<8x512xf32>, i1) {
      %not3A = arith.constant true
      %not3A_932 = arith.xori %while3A_931, %not3A : i1
      scf.condition(%not3A_932) %while3A_930, %while3A_931 : vector<8x512xf32>, i1
    } do {
    ^bb0(%while3A_930: vector<8x512xf32>, %while3A_931: i1):
      %dot_general3A_932 = arith.constant dense<0.000000e+00> : vector<8x512xf32>
      %dot_general3A_933 = tpu.matmul %while3A_930, %slice3A_94, %dot_general3A_932 {dimension_numbers = #tpu.dot_dimension_numbers<[1], [0], [0], [1], [0, 0, 1, 1], [], []>, transpose_lhs_hint = false} : vector<8x512xf32>, vector<512x512xf32>, vector<8x512xf32> -> vector<8x512xf32>
      %eq3A_934 = arith.constant 0.000000e+00 : f32
      %eq3A_935 = vector.broadcast %eq3A_934 : f32 to vector<8x512xf32>
      %eq3A_936 = arith.cmpf oeq, %dot_general3A_933, %eq3A_935 : vector<8x512xf32>
      %convert_element_type3A_937 = arith.extui %eq3A_936 : vector<8x512xi1> to vector<8x512xi32>
      %convert_element_type3A_938 = arith.sitofp %convert_element_type3A_937 : vector<8x512xi32> to vector<8x512xf32>
      %mul3A_939 = arith.mulf %broadcast_in_dim3A_99, %convert_element_type3A_938 : vector<8x512xf32>
      %eq3A_940 = arith.cmpf oeq, %mul3A_939, %while3A_930 : vector<8x512xf32>
      %reduce_and3A = arith.constant 1.000000e+00 : f32
      %reduce_and3A_941 = arith.constant 0.000000e+00 : f32
      %reduce_and3A_942 = vector.broadcast %reduce_and3A : f32 to vector<8x512xf32>
      %reduce_and3A_943 = vector.broadcast %reduce_and3A_941 : f32 to vector<8x512xf32>
      %reduce_and3A_944 = arith.select %eq3A_940, %reduce_and3A_942, %reduce_and3A_943 : vector<8x512xi1>, vector<8x512xf32>
      %reduce_and3A_945 = vector.shape_cast %reduce_and3A_944 : vector<8x512xf32> to vector<1x8x512xf32>
      %reduce_and3A_946 = arith.constant dense<0x7F800000> : vector<1xf32>
      %reduce_and3A_947 = vector.multi_reduction <minimumf>, %reduce_and3A_945, %reduce_and3A_946 [1, 2] : vector<1x8x512xf32> to vector<1xf32>
      %reduce_and3A_948 = vector.shape_cast %reduce_and3A_947 : vector<1xf32> to vector<1x1x1xf32>
      %reduce_and3A_949 = vector.extract %reduce_and3A_948[0, 0, 0] : f32 from vector<1x1x1xf32>
      %reduce_and3A_950 = arith.constant 0.000000e+00 : f32
      %reduce_and3A_951 = arith.cmpf ogt, %reduce_and3A_949, %reduce_and3A_950 : f32
      scf.yield %mul3A_939, %reduce_and3A_951 : vector<8x512xf32>, i1
    }
    %dot_general3A_102 = arith.constant dense<0.000000e+00> : vector<8x4608xf32>
    %dot_general3A_103 = tpu.matmul %while3A_101#0, %convert_element_type3A_93, %dot_general3A_102 {dimension_numbers = #tpu.dot_dimension_numbers<[1], [0], [0], [1], [0, 0, 1, 1], [], []>, transpose_lhs_hint = false} : vector<8x512xf32>, vector<512x4608xf32>, vector<8x4608xf32> -> vector<8x4608xf32>
    %slice3A_104 = vector.extract_strided_slice %dot_general3A_103 {offsets = [0, 0], sizes = [1, 4608], strides = [1, 1]} : vector<8x4608xf32> to vector<1x4608xf32>
    %eq3A_105 = arith.constant 0.000000e+00 : f32
    %eq3A_106 = vector.broadcast %eq3A_105 : f32 to vector<1x4608xf32>
    %eq3A_107 = arith.cmpf oeq, %slice3A_104, %eq3A_106 : vector<1x4608xf32>
    %convert_element_type3A_108 = arith.extui %eq3A_107 : vector<1x4608xi1> to vector<1x4608xi32>
    %convert_element_type3A_109 = arith.sitofp %convert_element_type3A_108 : vector<1x4608xi32> to vector<1x4608xf32>
    %get3A_110 = arith.constant 0 : index
    %get3A_111 = arith.constant 512 : index
    %get3A_112 = vector.load %arg7[%get3A_110, %get3A_111] : memref<1x5120xf32, #tpu.memory_space<vmem>>, vector<1x4608xf32>
    %mul3A_113 = arith.mulf %get3A_112, %convert_element_type3A_109 : vector<1x4608xf32>
    %swap3A_114 = arith.constant 0 : index
    %swap3A_115 = arith.constant 512 : index
    %swap3A_116 = vector.load %arg7[%swap3A_114, %swap3A_115] : memref<1x5120xf32, #tpu.memory_space<vmem>>, vector<1x4608xf32>
    tpu.vector_store %arg7[%swap3A_114, %swap3A_115], %mul3A_113 {strides = array<i32>} : memref<1x5120xf32, #tpu.memory_space<vmem>>, vector<1x4608xf32>,
    %slice3A_117 = vector.extract_strided_slice %squeeze3A {offsets = [1024, 0], sizes = [512, 1], strides = [1, 1]} : vector<5120x8xf32> to vector<512x1xf32>
    %slice3A_118 = vector.extract_strided_slice %squeeze3A_10 {offsets = [0, 1024], sizes = [1, 4096], strides = [1, 1]} : vector<8x5120xf32> to vector<1x4096xf32>
    %sub3A_119 = vector.broadcast %slice3A_117 : vector<512x1xf32> to vector<512x4096xf32>
    %sub3A_120 = vector.broadcast %slice3A_118 : vector<1x4096xf32> to vector<512x4096xf32>
    %sub3A_121 = arith.subf %sub3A_119, %sub3A_120 : vector<512x4096xf32>
    %slice3A_122 = vector.extract_strided_slice %squeeze3A {offsets = [1024, 1], sizes = [512, 1], strides = [1, 1]} : vector<5120x8xf32> to vector<512x1xf32>
    %slice3A_123 = vector.extract_strided_slice %squeeze3A_10 {offsets = [1, 1024], sizes = [1, 4096], strides = [1, 1]} : vector<8x5120xf32> to vector<1x4096xf32>
    %sub3A_124 = vector.broadcast %slice3A_122 : vector<512x1xf32> to vector<512x4096xf32>
    %sub3A_125 = vector.broadcast %slice3A_123 : vector<1x4096xf32> to vector<512x4096xf32>
    %sub3A_126 = arith.subf %sub3A_124, %sub3A_125 : vector<512x4096xf32>
    %slice3A_127 = vector.extract_strided_slice %squeeze3A {offsets = [1024, 2], sizes = [512, 1], strides = [1, 1]} : vector<5120x8xf32> to vector<512x1xf32>
    %slice3A_128 = vector.extract_strided_slice %squeeze3A_10 {offsets = [2, 1024], sizes = [1, 4096], strides = [1, 1]} : vector<8x5120xf32> to vector<1x4096xf32>
    %sub3A_129 = vector.broadcast %slice3A_127 : vector<512x1xf32> to vector<512x4096xf32>
    %sub3A_130 = vector.broadcast %slice3A_128 : vector<1x4096xf32> to vector<512x4096xf32>
    %sub3A_131 = arith.subf %sub3A_129, %sub3A_130 : vector<512x4096xf32>
    %mul3A_132 = arith.mulf %sub3A_121, %sub3A_121 : vector<512x4096xf32>
    %mul3A_133 = arith.mulf %sub3A_126, %sub3A_126 : vector<512x4096xf32>
    %add3A_134 = arith.addf %mul3A_132, %mul3A_133 : vector<512x4096xf32>
    %mul3A_135 = arith.mulf %sub3A_131, %sub3A_131 : vector<512x4096xf32>
    %add3A_136 = arith.addf %add3A_134, %mul3A_135 : vector<512x4096xf32>
    %slice3A_137 = vector.extract_strided_slice %squeeze3A {offsets = [1024, 3], sizes = [512, 1], strides = [1, 1]} : vector<5120x8xf32> to vector<512x1xf32>
    %slice3A_138 = vector.extract_strided_slice %squeeze3A {offsets = [1024, 4], sizes = [512, 1], strides = [1, 1]} : vector<5120x8xf32> to vector<512x1xf32>
    %slice3A_139 = vector.extract_strided_slice %squeeze3A_10 {offsets = [4, 1024], sizes = [1, 4096], strides = [1, 1]} : vector<8x5120xf32> to vector<1x4096xf32>
    %iota3A_140 = tpu.iota {dimensions = array<i32: 0>} : vector<512x4096xi32>
    %iota3A_141 = tpu.iota {dimensions = array<i32: 1>} : vector<512x4096xi32>
    %mul3A_142 = arith.mulf %slice3A_137, %slice3A_137 : vector<512x1xf32>
    %lt3A_143 = vector.broadcast %mul3A_142 : vector<512x1xf32> to vector<512x4096xf32>
    %lt3A_144 = arith.cmpf olt, %add3A_136, %lt3A_143 : vector<512x4096xf32>
    %eq3A_145 = vector.broadcast %slice3A_138 : vector<512x1xf32> to vector<512x4096xf32>
    %eq3A_146 = vector.broadcast %slice3A_139 : vector<1x4096xf32> to vector<512x4096xf32>
    %eq3A_147 = arith.cmpf oeq, %eq3A_145, %eq3A_146 : vector<512x4096xf32>
    %and3A_148 = arith.andi %lt3A_144, %eq3A_147 : vector<512x4096xi1>
    %gt3A_149 = arith.cmpi sgt, %iota3A_141, %iota3A_140 : vector<512x4096xi32>
    %and3A_150 = arith.andi %and3A_148, %gt3A_149 : vector<512x4096xi1>
    %convert_element_type3A_151 = arith.extui %and3A_150 : vector<512x4096xi1> to vector<512x4096xi32>
    %convert_element_type3A_152 = arith.sitofp %convert_element_type3A_151 : vector<512x4096xi32> to vector<512x4096xf32>
    %slice3A_153 = vector.extract_strided_slice %convert_element_type3A_152 {offsets = [0, 0], sizes = [512, 512], strides = [1, 1]} : vector<512x4096xf32> to vector<512x512xf32>
    %get3A_154 = arith.constant 0 : index
    %get3A_155 = arith.constant 1024 : index
    %get3A_156 = vector.load %arg7[%get3A_154, %get3A_155] : memref<1x5120xf32, #tpu.memory_space<vmem>>, vector<1x512xf32>
    %broadcast_in_dim3A_157 = vector.shape_cast %get3A_156 : vector<1x512xf32> to vector<1x512xf32>
    %broadcast_in_dim3A_158 = vector.broadcast %broadcast_in_dim3A_157 : vector<1x512xf32> to vector<8x512xf32>
    %while3A_159 = arith.constant false
    %while3A_160:2 = scf.while (%while3A_930 = %broadcast_in_dim3A_158, %while3A_931 = %while3A_159) : (vector<8x512xf32>, i1) -> (vector<8x512xf32>, i1) {
      %not3A = arith.constant true
      %not3A_932 = arith.xori %while3A_931, %not3A : i1
      scf.condition(%not3A_932) %while3A_930, %while3A_931 : vector<8x512xf32>, i1
    } do {
    ^bb0(%while3A_930: vector<8x512xf32>, %while3A_931: i1):
      %dot_general3A_932 = arith.constant dense<0.000000e+00> : vector<8x512xf32>
      %dot_general3A_933 = tpu.matmul %while3A_930, %slice3A_153, %dot_general3A_932 {dimension_numbers = #tpu.dot_dimension_numbers<[1], [0], [0], [1], [0, 0, 1, 1], [], []>, transpose_lhs_hint = false} : vector<8x512xf32>, vector<512x512xf32>, vector<8x512xf32> -> vector<8x512xf32>
      %eq3A_934 = arith.constant 0.000000e+00 : f32
      %eq3A_935 = vector.broadcast %eq3A_934 : f32 to vector<8x512xf32>
      %eq3A_936 = arith.cmpf oeq, %dot_general3A_933, %eq3A_935 : vector<8x512xf32>
      %convert_element_type3A_937 = arith.extui %eq3A_936 : vector<8x512xi1> to vector<8x512xi32>
      %convert_element_type3A_938 = arith.sitofp %convert_element_type3A_937 : vector<8x512xi32> to vector<8x512xf32>
      %mul3A_939 = arith.mulf %broadcast_in_dim3A_158, %convert_element_type3A_938 : vector<8x512xf32>
      %eq3A_940 = arith.cmpf oeq, %mul3A_939, %while3A_930 : vector<8x512xf32>
      %reduce_and3A = arith.constant 1.000000e+00 : f32
      %reduce_and3A_941 = arith.constant 0.000000e+00 : f32
      %reduce_and3A_942 = vector.broadcast %reduce_and3A : f32 to vector<8x512xf32>
      %reduce_and3A_943 = vector.broadcast %reduce_and3A_941 : f32 to vector<8x512xf32>
      %reduce_and3A_944 = arith.select %eq3A_940, %reduce_and3A_942, %reduce_and3A_943 : vector<8x512xi1>, vector<8x512xf32>
      %reduce_and3A_945 = vector.shape_cast %reduce_and3A_944 : vector<8x512xf32> to vector<1x8x512xf32>
      %reduce_and3A_946 = arith.constant dense<0x7F800000> : vector<1xf32>
      %reduce_and3A_947 = vector.multi_reduction <minimumf>, %reduce_and3A_945, %reduce_and3A_946 [1, 2] : vector<1x8x512xf32> to vector<1xf32>
      %reduce_and3A_948 = vector.shape_cast %reduce_and3A_947 : vector<1xf32> to vector<1x1x1xf32>
      %reduce_and3A_949 = vector.extract %reduce_and3A_948[0, 0, 0] : f32 from vector<1x1x1xf32>
      %reduce_and3A_950 = arith.constant 0.000000e+00 : f32
      %reduce_and3A_951 = arith.cmpf ogt, %reduce_and3A_949, %reduce_and3A_950 : f32
      scf.yield %mul3A_939, %reduce_and3A_951 : vector<8x512xf32>, i1
    }
    %dot_general3A_161 = arith.constant dense<0.000000e+00> : vector<8x4096xf32>
    %dot_general3A_162 = tpu.matmul %while3A_160#0, %convert_element_type3A_152, %dot_general3A_161 {dimension_numbers = #tpu.dot_dimension_numbers<[1], [0], [0], [1], [0, 0, 1, 1], [], []>, transpose_lhs_hint = false} : vector<8x512xf32>, vector<512x4096xf32>, vector<8x4096xf32> -> vector<8x4096xf32>
    %slice3A_163 = vector.extract_strided_slice %dot_general3A_162 {offsets = [0, 0], sizes = [1, 4096], strides = [1, 1]} : vector<8x4096xf32> to vector<1x4096xf32>
    %eq3A_164 = arith.constant 0.000000e+00 : f32
    %eq3A_165 = vector.broadcast %eq3A_164 : f32 to vector<1x4096xf32>
    %eq3A_166 = arith.cmpf oeq, %slice3A_163, %eq3A_165 : vector<1x4096xf32>
    %convert_element_type3A_167 = arith.extui %eq3A_166 : vector<1x4096xi1> to vector<1x4096xi32>
    %convert_element_type3A_168 = arith.sitofp %convert_element_type3A_167 : vector<1x4096xi32> to vector<1x4096xf32>
    %get3A_169 = arith.constant 0 : index
    %get3A_170 = arith.constant 1024 : index
    %get3A_171 = vector.load %arg7[%get3A_169, %get3A_170] : memref<1x5120xf32, #tpu.memory_space<vmem>>, vector<1x4096xf32>
    %mul3A_172 = arith.mulf %get3A_171, %convert_element_type3A_168 : vector<1x4096xf32>
    %swap3A_173 = arith.constant 0 : index
    %swap3A_174 = arith.constant 1024 : index
    %swap3A_175 = vector.load %arg7[%swap3A_173, %swap3A_174] : memref<1x5120xf32, #tpu.memory_space<vmem>>, vector<1x4096xf32>
    tpu.vector_store %arg7[%swap3A_173, %swap3A_174], %mul3A_172 {strides = array<i32>} : memref<1x5120xf32, #tpu.memory_space<vmem>>, vector<1x4096xf32>,
    %slice3A_176 = vector.extract_strided_slice %squeeze3A {offsets = [1536, 0], sizes = [512, 1], strides = [1, 1]} : vector<5120x8xf32> to vector<512x1xf32>
    %slice3A_177 = vector.extract_strided_slice %squeeze3A_10 {offsets = [0, 1536], sizes = [1, 3584], strides = [1, 1]} : vector<8x5120xf32> to vector<1x3584xf32>
    %sub3A_178 = vector.broadcast %slice3A_176 : vector<512x1xf32> to vector<512x3584xf32>
    %sub3A_179 = vector.broadcast %slice3A_177 : vector<1x3584xf32> to vector<512x3584xf32>
    %sub3A_180 = arith.subf %sub3A_178, %sub3A_179 : vector<512x3584xf32>
    %slice3A_181 = vector.extract_strided_slice %squeeze3A {offsets = [1536, 1], sizes = [512, 1], strides = [1, 1]} : vector<5120x8xf32> to vector<512x1xf32>
    %slice3A_182 = vector.extract_strided_slice %squeeze3A_10 {offsets = [1, 1536], sizes = [1, 3584], strides = [1, 1]} : vector<8x5120xf32> to vector<1x3584xf32>
    %sub3A_183 = vector.broadcast %slice3A_181 : vector<512x1xf32> to vector<512x3584xf32>
    %sub3A_184 = vector.broadcast %slice3A_182 : vector<1x3584xf32> to vector<512x3584xf32>
    %sub3A_185 = arith.subf %sub3A_183, %sub3A_184 : vector<512x3584xf32>
    %slice3A_186 = vector.extract_strided_slice %squeeze3A {offsets = [1536, 2], sizes = [512, 1], strides = [1, 1]} : vector<5120x8xf32> to vector<512x1xf32>
    %slice3A_187 = vector.extract_strided_slice %squeeze3A_10 {offsets = [2, 1536], sizes = [1, 3584], strides = [1, 1]} : vector<8x5120xf32> to vector<1x3584xf32>
    %sub3A_188 = vector.broadcast %slice3A_186 : vector<512x1xf32> to vector<512x3584xf32>
    %sub3A_189 = vector.broadcast %slice3A_187 : vector<1x3584xf32> to vector<512x3584xf32>
    %sub3A_190 = arith.subf %sub3A_188, %sub3A_189 : vector<512x3584xf32>
    %mul3A_191 = arith.mulf %sub3A_180, %sub3A_180 : vector<512x3584xf32>
    %mul3A_192 = arith.mulf %sub3A_185, %sub3A_185 : vector<512x3584xf32>
    %add3A_193 = arith.addf %mul3A_191, %mul3A_192 : vector<512x3584xf32>
    %mul3A_194 = arith.mulf %sub3A_190, %sub3A_190 : vector<512x3584xf32>
    %add3A_195 = arith.addf %add3A_193, %mul3A_194 : vector<512x3584xf32>
    %slice3A_196 = vector.extract_strided_slice %squeeze3A {offsets = [1536, 3], sizes = [512, 1], strides = [1, 1]} : vector<5120x8xf32> to vector<512x1xf32>
    %slice3A_197 = vector.extract_strided_slice %squeeze3A {offsets = [1536, 4], sizes = [512, 1], strides = [1, 1]} : vector<5120x8xf32> to vector<512x1xf32>
    %slice3A_198 = vector.extract_strided_slice %squeeze3A_10 {offsets = [4, 1536], sizes = [1, 3584], strides = [1, 1]} : vector<8x5120xf32> to vector<1x3584xf32>
    %iota3A_199 = tpu.iota {dimensions = array<i32: 0>} : vector<512x3584xi32>
    %iota3A_200 = tpu.iota {dimensions = array<i32: 1>} : vector<512x3584xi32>
    %mul3A_201 = arith.mulf %slice3A_196, %slice3A_196 : vector<512x1xf32>
    %lt3A_202 = vector.broadcast %mul3A_201 : vector<512x1xf32> to vector<512x3584xf32>
    %lt3A_203 = arith.cmpf olt, %add3A_195, %lt3A_202 : vector<512x3584xf32>
    %eq3A_204 = vector.broadcast %slice3A_197 : vector<512x1xf32> to vector<512x3584xf32>
    %eq3A_205 = vector.broadcast %slice3A_198 : vector<1x3584xf32> to vector<512x3584xf32>
    %eq3A_206 = arith.cmpf oeq, %eq3A_204, %eq3A_205 : vector<512x3584xf32>
    %and3A_207 = arith.andi %lt3A_203, %eq3A_206 : vector<512x3584xi1>
    %gt3A_208 = arith.cmpi sgt, %iota3A_200, %iota3A_199 : vector<512x3584xi32>
    %and3A_209 = arith.andi %and3A_207, %gt3A_208 : vector<512x3584xi1>
    %convert_element_type3A_210 = arith.extui %and3A_209 : vector<512x3584xi1> to vector<512x3584xi32>
    %convert_element_type3A_211 = arith.sitofp %convert_element_type3A_210 : vector<512x3584xi32> to vector<512x3584xf32>
    %slice3A_212 = vector.extract_strided_slice %convert_element_type3A_211 {offsets = [0, 0], sizes = [512, 512], strides = [1, 1]} : vector<512x3584xf32> to vector<512x512xf32>
    %get3A_213 = arith.constant 0 : index
    %get3A_214 = arith.constant 1536 : index
    %get3A_215 = vector.load %arg7[%get3A_213, %get3A_214] : memref<1x5120xf32, #tpu.memory_space<vmem>>, vector<1x512xf32>
    %broadcast_in_dim3A_216 = vector.shape_cast %get3A_215 : vector<1x512xf32> to vector<1x512xf32>
    %broadcast_in_dim3A_217 = vector.broadcast %broadcast_in_dim3A_216 : vector<1x512xf32> to vector<8x512xf32>
    %while3A_218 = arith.constant false
    %while3A_219:2 = scf.while (%while3A_930 = %broadcast_in_dim3A_217, %while3A_931 = %while3A_218) : (vector<8x512xf32>, i1) -> (vector<8x512xf32>, i1) {
      %not3A = arith.constant true
      %not3A_932 = arith.xori %while3A_931, %not3A : i1
      scf.condition(%not3A_932) %while3A_930, %while3A_931 : vector<8x512xf32>, i1
    } do {
    ^bb0(%while3A_930: vector<8x512xf32>, %while3A_931: i1):
      %dot_general3A_932 = arith.constant dense<0.000000e+00> : vector<8x512xf32>
      %dot_general3A_933 = tpu.matmul %while3A_930, %slice3A_212, %dot_general3A_932 {dimension_numbers = #tpu.dot_dimension_numbers<[1], [0], [0], [1], [0, 0, 1, 1], [], []>, transpose_lhs_hint = false} : vector<8x512xf32>, vector<512x512xf32>, vector<8x512xf32> -> vector<8x512xf32>
      %eq3A_934 = arith.constant 0.000000e+00 : f32
      %eq3A_935 = vector.broadcast %eq3A_934 : f32 to vector<8x512xf32>
      %eq3A_936 = arith.cmpf oeq, %dot_general3A_933, %eq3A_935 : vector<8x512xf32>
      %convert_element_type3A_937 = arith.extui %eq3A_936 : vector<8x512xi1> to vector<8x512xi32>
      %convert_element_type3A_938 = arith.sitofp %convert_element_type3A_937 : vector<8x512xi32> to vector<8x512xf32>
      %mul3A_939 = arith.mulf %broadcast_in_dim3A_217, %convert_element_type3A_938 : vector<8x512xf32>
      %eq3A_940 = arith.cmpf oeq, %mul3A_939, %while3A_930 : vector<8x512xf32>
      %reduce_and3A = arith.constant 1.000000e+00 : f32
      %reduce_and3A_941 = arith.constant 0.000000e+00 : f32
      %reduce_and3A_942 = vector.broadcast %reduce_and3A : f32 to vector<8x512xf32>
      %reduce_and3A_943 = vector.broadcast %reduce_and3A_941 : f32 to vector<8x512xf32>
      %reduce_and3A_944 = arith.select %eq3A_940, %reduce_and3A_942, %reduce_and3A_943 : vector<8x512xi1>, vector<8x512xf32>
      %reduce_and3A_945 = vector.shape_cast %reduce_and3A_944 : vector<8x512xf32> to vector<1x8x512xf32>
      %reduce_and3A_946 = arith.constant dense<0x7F800000> : vector<1xf32>
      %reduce_and3A_947 = vector.multi_reduction <minimumf>, %reduce_and3A_945, %reduce_and3A_946 [1, 2] : vector<1x8x512xf32> to vector<1xf32>
      %reduce_and3A_948 = vector.shape_cast %reduce_and3A_947 : vector<1xf32> to vector<1x1x1xf32>
      %reduce_and3A_949 = vector.extract %reduce_and3A_948[0, 0, 0] : f32 from vector<1x1x1xf32>
      %reduce_and3A_950 = arith.constant 0.000000e+00 : f32
      %reduce_and3A_951 = arith.cmpf ogt, %reduce_and3A_949, %reduce_and3A_950 : f32
      scf.yield %mul3A_939, %reduce_and3A_951 : vector<8x512xf32>, i1
    }
    %dot_general3A_220 = arith.constant dense<0.000000e+00> : vector<8x3584xf32>
    %dot_general3A_221 = tpu.matmul %while3A_219#0, %convert_element_type3A_211, %dot_general3A_220 {dimension_numbers = #tpu.dot_dimension_numbers<[1], [0], [0], [1], [0, 0, 1, 1], [], []>, transpose_lhs_hint = false} : vector<8x512xf32>, vector<512x3584xf32>, vector<8x3584xf32> -> vector<8x3584xf32>
    %slice3A_222 = vector.extract_strided_slice %dot_general3A_221 {offsets = [0, 0], sizes = [1, 3584], strides = [1, 1]} : vector<8x3584xf32> to vector<1x3584xf32>
    %eq3A_223 = arith.constant 0.000000e+00 : f32
    %eq3A_224 = vector.broadcast %eq3A_223 : f32 to vector<1x3584xf32>
    %eq3A_225 = arith.cmpf oeq, %slice3A_222, %eq3A_224 : vector<1x3584xf32>
    %convert_element_type3A_226 = arith.extui %eq3A_225 : vector<1x3584xi1> to vector<1x3584xi32>
    %convert_element_type3A_227 = arith.sitofp %convert_element_type3A_226 : vector<1x3584xi32> to vector<1x3584xf32>
    %get3A_228 = arith.constant 0 : index
    %get3A_229 = arith.constant 1536 : index
    %get3A_230 = vector.load %arg7[%get3A_228, %get3A_229] : memref<1x5120xf32, #tpu.memory_space<vmem>>, vector<1x3584xf32>
    %mul3A_231 = arith.mulf %get3A_230, %convert_element_type3A_227 : vector<1x3584xf32>
    %swap3A_232 = arith.constant 0 : index
    %swap3A_233 = arith.constant 1536 : index
    %swap3A_234 = vector.load %arg7[%swap3A_232, %swap3A_233] : memref<1x5120xf32, #tpu.memory_space<vmem>>, vector<1x3584xf32>
    tpu.vector_store %arg7[%swap3A_232, %swap3A_233], %mul3A_231 {strides = array<i32>} : memref<1x5120xf32, #tpu.memory_space<vmem>>, vector<1x3584xf32>,
    %slice3A_235 = vector.extract_strided_slice %squeeze3A {offsets = [2048, 0], sizes = [512, 1], strides = [1, 1]} : vector<5120x8xf32> to vector<512x1xf32>
    %slice3A_236 = vector.extract_strided_slice %squeeze3A_10 {offsets = [0, 2048], sizes = [1, 3072], strides = [1, 1]} : vector<8x5120xf32> to vector<1x3072xf32>
    %sub3A_237 = vector.broadcast %slice3A_235 : vector<512x1xf32> to vector<512x3072xf32>
    %sub3A_238 = vector.broadcast %slice3A_236 : vector<1x3072xf32> to vector<512x3072xf32>
    %sub3A_239 = arith.subf %sub3A_237, %sub3A_238 : vector<512x3072xf32>
    %slice3A_240 = vector.extract_strided_slice %squeeze3A {offsets = [2048, 1], sizes = [512, 1], strides = [1, 1]} : vector<5120x8xf32> to vector<512x1xf32>
    %slice3A_241 = vector.extract_strided_slice %squeeze3A_10 {offsets = [1, 2048], sizes = [1, 3072], strides = [1, 1]} : vector<8x5120xf32> to vector<1x3072xf32>
    %sub3A_242 = vector.broadcast %slice3A_240 : vector<512x1xf32> to vector<512x3072xf32>
    %sub3A_243 = vector.broadcast %slice3A_241 : vector<1x3072xf32> to vector<512x3072xf32>
    %sub3A_244 = arith.subf %sub3A_242, %sub3A_243 : vector<512x3072xf32>
    %slice3A_245 = vector.extract_strided_slice %squeeze3A {offsets = [2048, 2], sizes = [512, 1], strides = [1, 1]} : vector<5120x8xf32> to vector<512x1xf32>
    %slice3A_246 = vector.extract_strided_slice %squeeze3A_10 {offsets = [2, 2048], sizes = [1, 3072], strides = [1, 1]} : vector<8x5120xf32> to vector<1x3072xf32>
    %sub3A_247 = vector.broadcast %slice3A_245 : vector<512x1xf32> to vector<512x3072xf32>
    %sub3A_248 = vector.broadcast %slice3A_246 : vector<1x3072xf32> to vector<512x3072xf32>
    %sub3A_249 = arith.subf %sub3A_247, %sub3A_248 : vector<512x3072xf32>
    %mul3A_250 = arith.mulf %sub3A_239, %sub3A_239 : vector<512x3072xf32>
    %mul3A_251 = arith.mulf %sub3A_244, %sub3A_244 : vector<512x3072xf32>
    %add3A_252 = arith.addf %mul3A_250, %mul3A_251 : vector<512x3072xf32>
    %mul3A_253 = arith.mulf %sub3A_249, %sub3A_249 : vector<512x3072xf32>
    %add3A_254 = arith.addf %add3A_252, %mul3A_253 : vector<512x3072xf32>
    %slice3A_255 = vector.extract_strided_slice %squeeze3A {offsets = [2048, 3], sizes = [512, 1], strides = [1, 1]} : vector<5120x8xf32> to vector<512x1xf32>
    %slice3A_256 = vector.extract_strided_slice %squeeze3A {offsets = [2048, 4], sizes = [512, 1], strides = [1, 1]} : vector<5120x8xf32> to vector<512x1xf32>
    %slice3A_257 = vector.extract_strided_slice %squeeze3A_10 {offsets = [4, 2048], sizes = [1, 3072], strides = [1, 1]} : vector<8x5120xf32> to vector<1x3072xf32>
    %iota3A_258 = tpu.iota {dimensions = array<i32: 0>} : vector<512x3072xi32>
    %iota3A_259 = tpu.iota {dimensions = array<i32: 1>} : vector<512x3072xi32>
    %mul3A_260 = arith.mulf %slice3A_255, %slice3A_255 : vector<512x1xf32>
    %lt3A_261 = vector.broadcast %mul3A_260 : vector<512x1xf32> to vector<512x3072xf32>
    %lt3A_262 = arith.cmpf olt, %add3A_254, %lt3A_261 : vector<512x3072xf32>
    %eq3A_263 = vector.broadcast %slice3A_256 : vector<512x1xf32> to vector<512x3072xf32>
    %eq3A_264 = vector.broadcast %slice3A_257 : vector<1x3072xf32> to vector<512x3072xf32>
    %eq3A_265 = arith.cmpf oeq, %eq3A_263, %eq3A_264 : vector<512x3072xf32>
    %and3A_266 = arith.andi %lt3A_262, %eq3A_265 : vector<512x3072xi1>
    %gt3A_267 = arith.cmpi sgt, %iota3A_259, %iota3A_258 : vector<512x3072xi32>
    %and3A_268 = arith.andi %and3A_266, %gt3A_267 : vector<512x3072xi1>
    %convert_element_type3A_269 = arith.extui %and3A_268 : vector<512x3072xi1> to vector<512x3072xi32>
    %convert_element_type3A_270 = arith.sitofp %convert_element_type3A_269 : vector<512x3072xi32> to vector<512x3072xf32>
    %slice3A_271 = vector.extract_strided_slice %convert_element_type3A_270 {offsets = [0, 0], sizes = [512, 512], strides = [1, 1]} : vector<512x3072xf32> to vector<512x512xf32>
    %get3A_272 = arith.constant 0 : index
    %get3A_273 = arith.constant 2048 : index
    %get3A_274 = vector.load %arg7[%get3A_272, %get3A_273] : memref<1x5120xf32, #tpu.memory_space<vmem>>, vector<1x512xf32>
    %broadcast_in_dim3A_275 = vector.shape_cast %get3A_274 : vector<1x512xf32> to vector<1x512xf32>
    %broadcast_in_dim3A_276 = vector.broadcast %broadcast_in_dim3A_275 : vector<1x512xf32> to vector<8x512xf32>
    %while3A_277 = arith.constant false
    %while3A_278:2 = scf.while (%while3A_930 = %broadcast_in_dim3A_276, %while3A_931 = %while3A_277) : (vector<8x512xf32>, i1) -> (vector<8x512xf32>, i1) {
      %not3A = arith.constant true
      %not3A_932 = arith.xori %while3A_931, %not3A : i1
      scf.condition(%not3A_932) %while3A_930, %while3A_931 : vector<8x512xf32>, i1
    } do {
    ^bb0(%while3A_930: vector<8x512xf32>, %while3A_931: i1):
      %dot_general3A_932 = arith.constant dense<0.000000e+00> : vector<8x512xf32>
      %dot_general3A_933 = tpu.matmul %while3A_930, %slice3A_271, %dot_general3A_932 {dimension_numbers = #tpu.dot_dimension_numbers<[1], [0], [0], [1], [0, 0, 1, 1], [], []>, transpose_lhs_hint = false} : vector<8x512xf32>, vector<512x512xf32>, vector<8x512xf32> -> vector<8x512xf32>
      %eq3A_934 = arith.constant 0.000000e+00 : f32
      %eq3A_935 = vector.broadcast %eq3A_934 : f32 to vector<8x512xf32>
      %eq3A_936 = arith.cmpf oeq, %dot_general3A_933, %eq3A_935 : vector<8x512xf32>
      %convert_element_type3A_937 = arith.extui %eq3A_936 : vector<8x512xi1> to vector<8x512xi32>
      %convert_element_type3A_938 = arith.sitofp %convert_element_type3A_937 : vector<8x512xi32> to vector<8x512xf32>
      %mul3A_939 = arith.mulf %broadcast_in_dim3A_276, %convert_element_type3A_938 : vector<8x512xf32>
      %eq3A_940 = arith.cmpf oeq, %mul3A_939, %while3A_930 : vector<8x512xf32>
      %reduce_and3A = arith.constant 1.000000e+00 : f32
      %reduce_and3A_941 = arith.constant 0.000000e+00 : f32
      %reduce_and3A_942 = vector.broadcast %reduce_and3A : f32 to vector<8x512xf32>
      %reduce_and3A_943 = vector.broadcast %reduce_and3A_941 : f32 to vector<8x512xf32>
      %reduce_and3A_944 = arith.select %eq3A_940, %reduce_and3A_942, %reduce_and3A_943 : vector<8x512xi1>, vector<8x512xf32>
      %reduce_and3A_945 = vector.shape_cast %reduce_and3A_944 : vector<8x512xf32> to vector<1x8x512xf32>
      %reduce_and3A_946 = arith.constant dense<0x7F800000> : vector<1xf32>
      %reduce_and3A_947 = vector.multi_reduction <minimumf>, %reduce_and3A_945, %reduce_and3A_946 [1, 2] : vector<1x8x512xf32> to vector<1xf32>
      %reduce_and3A_948 = vector.shape_cast %reduce_and3A_947 : vector<1xf32> to vector<1x1x1xf32>
      %reduce_and3A_949 = vector.extract %reduce_and3A_948[0, 0, 0] : f32 from vector<1x1x1xf32>
      %reduce_and3A_950 = arith.constant 0.000000e+00 : f32
      %reduce_and3A_951 = arith.cmpf ogt, %reduce_and3A_949, %reduce_and3A_950 : f32
      scf.yield %mul3A_939, %reduce_and3A_951 : vector<8x512xf32>, i1
    }
    %dot_general3A_279 = arith.constant dense<0.000000e+00> : vector<8x3072xf32>
    %dot_general3A_280 = tpu.matmul %while3A_278#0, %convert_element_type3A_270, %dot_general3A_279 {dimension_numbers = #tpu.dot_dimension_numbers<[1], [0], [0], [1], [0, 0, 1, 1], [], []>, transpose_lhs_hint = false} : vector<8x512xf32>, vector<512x3072xf32>, vector<8x3072xf32> -> vector<8x3072xf32>
    %slice3A_281 = vector.extract_strided_slice %dot_general3A_280 {offsets = [0, 0], sizes = [1, 3072], strides = [1, 1]} : vector<8x3072xf32> to vector<1x3072xf32>
    %eq3A_282 = arith.constant 0.000000e+00 : f32
    %eq3A_283 = vector.broadcast %eq3A_282 : f32 to vector<1x3072xf32>
    %eq3A_284 = arith.cmpf oeq, %slice3A_281, %eq3A_283 : vector<1x3072xf32>
    %convert_element_type3A_285 = arith.extui %eq3A_284 : vector<1x3072xi1> to vector<1x3072xi32>
    %convert_element_type3A_286 = arith.sitofp %convert_element_type3A_285 : vector<1x3072xi32> to vector<1x3072xf32>
    %get3A_287 = arith.constant 0 : index
    %get3A_288 = arith.constant 2048 : index
    %get3A_289 = vector.load %arg7[%get3A_287, %get3A_288] : memref<1x5120xf32, #tpu.memory_space<vmem>>, vector<1x3072xf32>
    %mul3A_290 = arith.mulf %get3A_289, %convert_element_type3A_286 : vector<1x3072xf32>
    %swap3A_291 = arith.constant 0 : index
    %swap3A_292 = arith.constant 2048 : index
    %swap3A_293 = vector.load %arg7[%swap3A_291, %swap3A_292] : memref<1x5120xf32, #tpu.memory_space<vmem>>, vector<1x3072xf32>
    tpu.vector_store %arg7[%swap3A_291, %swap3A_292], %mul3A_290 {strides = array<i32>} : memref<1x5120xf32, #tpu.memory_space<vmem>>, vector<1x3072xf32>,
    %slice3A_294 = vector.extract_strided_slice %squeeze3A {offsets = [2560, 0], sizes = [512, 1], strides = [1, 1]} : vector<5120x8xf32> to vector<512x1xf32>
    %slice3A_295 = vector.extract_strided_slice %squeeze3A_10 {offsets = [0, 2560], sizes = [1, 2560], strides = [1, 1]} : vector<8x5120xf32> to vector<1x2560xf32>
    %sub3A_296 = vector.broadcast %slice3A_294 : vector<512x1xf32> to vector<512x2560xf32>
    %sub3A_297 = vector.broadcast %slice3A_295 : vector<1x2560xf32> to vector<512x2560xf32>
    %sub3A_298 = arith.subf %sub3A_296, %sub3A_297 : vector<512x2560xf32>
    %slice3A_299 = vector.extract_strided_slice %squeeze3A {offsets = [2560, 1], sizes = [512, 1], strides = [1, 1]} : vector<5120x8xf32> to vector<512x1xf32>
    %slice3A_300 = vector.extract_strided_slice %squeeze3A_10 {offsets = [1, 2560], sizes = [1, 2560], strides = [1, 1]} : vector<8x5120xf32> to vector<1x2560xf32>
    %sub3A_301 = vector.broadcast %slice3A_299 : vector<512x1xf32> to vector<512x2560xf32>
    %sub3A_302 = vector.broadcast %slice3A_300 : vector<1x2560xf32> to vector<512x2560xf32>
    %sub3A_303 = arith.subf %sub3A_301, %sub3A_302 : vector<512x2560xf32>
    %slice3A_304 = vector.extract_strided_slice %squeeze3A {offsets = [2560, 2], sizes = [512, 1], strides = [1, 1]} : vector<5120x8xf32> to vector<512x1xf32>
    %slice3A_305 = vector.extract_strided_slice %squeeze3A_10 {offsets = [2, 2560], sizes = [1, 2560], strides = [1, 1]} : vector<8x5120xf32> to vector<1x2560xf32>
    %sub3A_306 = vector.broadcast %slice3A_304 : vector<512x1xf32> to vector<512x2560xf32>
    %sub3A_307 = vector.broadcast %slice3A_305 : vector<1x2560xf32> to vector<512x2560xf32>
    %sub3A_308 = arith.subf %sub3A_306, %sub3A_307 : vector<512x2560xf32>
    %mul3A_309 = arith.mulf %sub3A_298, %sub3A_298 : vector<512x2560xf32>
    %mul3A_310 = arith.mulf %sub3A_303, %sub3A_303 : vector<512x2560xf32>
    %add3A_311 = arith.addf %mul3A_309, %mul3A_310 : vector<512x2560xf32>
    %mul3A_312 = arith.mulf %sub3A_308, %sub3A_308 : vector<512x2560xf32>
    %add3A_313 = arith.addf %add3A_311, %mul3A_312 : vector<512x2560xf32>
    %slice3A_314 = vector.extract_strided_slice %squeeze3A {offsets = [2560, 3], sizes = [512, 1], strides = [1, 1]} : vector<5120x8xf32> to vector<512x1xf32>
    %slice3A_315 = vector.extract_strided_slice %squeeze3A {offsets = [2560, 4], sizes = [512, 1], strides = [1, 1]} : vector<5120x8xf32> to vector<512x1xf32>
    %slice3A_316 = vector.extract_strided_slice %squeeze3A_10 {offsets = [4, 2560], sizes = [1, 2560], strides = [1, 1]} : vector<8x5120xf32> to vector<1x2560xf32>
    %iota3A_317 = tpu.iota {dimensions = array<i32: 0>} : vector<512x2560xi32>
    %iota3A_318 = tpu.iota {dimensions = array<i32: 1>} : vector<512x2560xi32>
    %mul3A_319 = arith.mulf %slice3A_314, %slice3A_314 : vector<512x1xf32>
    %lt3A_320 = vector.broadcast %mul3A_319 : vector<512x1xf32> to vector<512x2560xf32>
    %lt3A_321 = arith.cmpf olt, %add3A_313, %lt3A_320 : vector<512x2560xf32>
    %eq3A_322 = vector.broadcast %slice3A_315 : vector<512x1xf32> to vector<512x2560xf32>
    %eq3A_323 = vector.broadcast %slice3A_316 : vector<1x2560xf32> to vector<512x2560xf32>
    %eq3A_324 = arith.cmpf oeq, %eq3A_322, %eq3A_323 : vector<512x2560xf32>
    %and3A_325 = arith.andi %lt3A_321, %eq3A_324 : vector<512x2560xi1>
    %gt3A_326 = arith.cmpi sgt, %iota3A_318, %iota3A_317 : vector<512x2560xi32>
    %and3A_327 = arith.andi %and3A_325, %gt3A_326 : vector<512x2560xi1>
    %convert_element_type3A_328 = arith.extui %and3A_327 : vector<512x2560xi1> to vector<512x2560xi32>
    %convert_element_type3A_329 = arith.sitofp %convert_element_type3A_328 : vector<512x2560xi32> to vector<512x2560xf32>
    %slice3A_330 = vector.extract_strided_slice %convert_element_type3A_329 {offsets = [0, 0], sizes = [512, 512], strides = [1, 1]} : vector<512x2560xf32> to vector<512x512xf32>
    %get3A_331 = arith.constant 0 : index
    %get3A_332 = arith.constant 2560 : index
    %get3A_333 = vector.load %arg7[%get3A_331, %get3A_332] : memref<1x5120xf32, #tpu.memory_space<vmem>>, vector<1x512xf32>
    %broadcast_in_dim3A_334 = vector.shape_cast %get3A_333 : vector<1x512xf32> to vector<1x512xf32>
    %broadcast_in_dim3A_335 = vector.broadcast %broadcast_in_dim3A_334 : vector<1x512xf32> to vector<8x512xf32>
    %while3A_336 = arith.constant false
    %while3A_337:2 = scf.while (%while3A_930 = %broadcast_in_dim3A_335, %while3A_931 = %while3A_336) : (vector<8x512xf32>, i1) -> (vector<8x512xf32>, i1) {
      %not3A = arith.constant true
      %not3A_932 = arith.xori %while3A_931, %not3A : i1
      scf.condition(%not3A_932) %while3A_930, %while3A_931 : vector<8x512xf32>, i1
    } do {
    ^bb0(%while3A_930: vector<8x512xf32>, %while3A_931: i1):
      %dot_general3A_932 = arith.constant dense<0.000000e+00> : vector<8x512xf32>
      %dot_general3A_933 = tpu.matmul %while3A_930, %slice3A_330, %dot_general3A_932 {dimension_numbers = #tpu.dot_dimension_numbers<[1], [0], [0], [1], [0, 0, 1, 1], [], []>, transpose_lhs_hint = false} : vector<8x512xf32>, vector<512x512xf32>, vector<8x512xf32> -> vector<8x512xf32>
      %eq3A_934 = arith.constant 0.000000e+00 : f32
      %eq3A_935 = vector.broadcast %eq3A_934 : f32 to vector<8x512xf32>
      %eq3A_936 = arith.cmpf oeq, %dot_general3A_933, %eq3A_935 : vector<8x512xf32>
      %convert_element_type3A_937 = arith.extui %eq3A_936 : vector<8x512xi1> to vector<8x512xi32>
      %convert_element_type3A_938 = arith.sitofp %convert_element_type3A_937 : vector<8x512xi32> to vector<8x512xf32>
      %mul3A_939 = arith.mulf %broadcast_in_dim3A_335, %convert_element_type3A_938 : vector<8x512xf32>
      %eq3A_940 = arith.cmpf oeq, %mul3A_939, %while3A_930 : vector<8x512xf32>
      %reduce_and3A = arith.constant 1.000000e+00 : f32
      %reduce_and3A_941 = arith.constant 0.000000e+00 : f32
      %reduce_and3A_942 = vector.broadcast %reduce_and3A : f32 to vector<8x512xf32>
      %reduce_and3A_943 = vector.broadcast %reduce_and3A_941 : f32 to vector<8x512xf32>
      %reduce_and3A_944 = arith.select %eq3A_940, %reduce_and3A_942, %reduce_and3A_943 : vector<8x512xi1>, vector<8x512xf32>
      %reduce_and3A_945 = vector.shape_cast %reduce_and3A_944 : vector<8x512xf32> to vector<1x8x512xf32>
      %reduce_and3A_946 = arith.constant dense<0x7F800000> : vector<1xf32>
      %reduce_and3A_947 = vector.multi_reduction <minimumf>, %reduce_and3A_945, %reduce_and3A_946 [1, 2] : vector<1x8x512xf32> to vector<1xf32>
      %reduce_and3A_948 = vector.shape_cast %reduce_and3A_947 : vector<1xf32> to vector<1x1x1xf32>
      %reduce_and3A_949 = vector.extract %reduce_and3A_948[0, 0, 0] : f32 from vector<1x1x1xf32>
      %reduce_and3A_950 = arith.constant 0.000000e+00 : f32
      %reduce_and3A_951 = arith.cmpf ogt, %reduce_and3A_949, %reduce_and3A_950 : f32
      scf.yield %mul3A_939, %reduce_and3A_951 : vector<8x512xf32>, i1
    }
    %dot_general3A_338 = arith.constant dense<0.000000e+00> : vector<8x2560xf32>
    %dot_general3A_339 = tpu.matmul %while3A_337#0, %convert_element_type3A_329, %dot_general3A_338 {dimension_numbers = #tpu.dot_dimension_numbers<[1], [0], [0], [1], [0, 0, 1, 1], [], []>, transpose_lhs_hint = false} : vector<8x512xf32>, vector<512x2560xf32>, vector<8x2560xf32> -> vector<8x2560xf32>
    %slice3A_340 = vector.extract_strided_slice %dot_general3A_339 {offsets = [0, 0], sizes = [1, 2560], strides = [1, 1]} : vector<8x2560xf32> to vector<1x2560xf32>
    %eq3A_341 = arith.constant 0.000000e+00 : f32
    %eq3A_342 = vector.broadcast %eq3A_341 : f32 to vector<1x2560xf32>
    %eq3A_343 = arith.cmpf oeq, %slice3A_340, %eq3A_342 : vector<1x2560xf32>
    %convert_element_type3A_344 = arith.extui %eq3A_343 : vector<1x2560xi1> to vector<1x2560xi32>
    %convert_element_type3A_345 = arith.sitofp %convert_element_type3A_344 : vector<1x2560xi32> to vector<1x2560xf32>
    %get3A_346 = arith.constant 0 : index
    %get3A_347 = arith.constant 2560 : index
    %get3A_348 = vector.load %arg7[%get3A_346, %get3A_347] : memref<1x5120xf32, #tpu.memory_space<vmem>>, vector<1x2560xf32>
    %mul3A_349 = arith.mulf %get3A_348, %convert_element_type3A_345 : vector<1x2560xf32>
    %swap3A_350 = arith.constant 0 : index
    %swap3A_351 = arith.constant 2560 : index
    %swap3A_352 = vector.load %arg7[%swap3A_350, %swap3A_351] : memref<1x5120xf32, #tpu.memory_space<vmem>>, vector<1x2560xf32>
    tpu.vector_store %arg7[%swap3A_350, %swap3A_351], %mul3A_349 {strides = array<i32>} : memref<1x5120xf32, #tpu.memory_space<vmem>>, vector<1x2560xf32>,
    %slice3A_353 = vector.extract_strided_slice %squeeze3A {offsets = [3072, 0], sizes = [512, 1], strides = [1, 1]} : vector<5120x8xf32> to vector<512x1xf32>
    %slice3A_354 = vector.extract_strided_slice %squeeze3A_10 {offsets = [0, 3072], sizes = [1, 2048], strides = [1, 1]} : vector<8x5120xf32> to vector<1x2048xf32>
    %sub3A_355 = vector.broadcast %slice3A_353 : vector<512x1xf32> to vector<512x2048xf32>
    %sub3A_356 = vector.broadcast %slice3A_354 : vector<1x2048xf32> to vector<512x2048xf32>
    %sub3A_357 = arith.subf %sub3A_355, %sub3A_356 : vector<512x2048xf32>
    %slice3A_358 = vector.extract_strided_slice %squeeze3A {offsets = [3072, 1], sizes = [512, 1], strides = [1, 1]} : vector<5120x8xf32> to vector<512x1xf32>
    %slice3A_359 = vector.extract_strided_slice %squeeze3A_10 {offsets = [1, 3072], sizes = [1, 2048], strides = [1, 1]} : vector<8x5120xf32> to vector<1x2048xf32>
    %sub3A_360 = vector.broadcast %slice3A_358 : vector<512x1xf32> to vector<512x2048xf32>
    %sub3A_361 = vector.broadcast %slice3A_359 : vector<1x2048xf32> to vector<512x2048xf32>
    %sub3A_362 = arith.subf %sub3A_360, %sub3A_361 : vector<512x2048xf32>
    %slice3A_363 = vector.extract_strided_slice %squeeze3A {offsets = [3072, 2], sizes = [512, 1], strides = [1, 1]} : vector<5120x8xf32> to vector<512x1xf32>
    %slice3A_364 = vector.extract_strided_slice %squeeze3A_10 {offsets = [2, 3072], sizes = [1, 2048], strides = [1, 1]} : vector<8x5120xf32> to vector<1x2048xf32>
    %sub3A_365 = vector.broadcast %slice3A_363 : vector<512x1xf32> to vector<512x2048xf32>
    %sub3A_366 = vector.broadcast %slice3A_364 : vector<1x2048xf32> to vector<512x2048xf32>
    %sub3A_367 = arith.subf %sub3A_365, %sub3A_366 : vector<512x2048xf32>
    %mul3A_368 = arith.mulf %sub3A_357, %sub3A_357 : vector<512x2048xf32>
    %mul3A_369 = arith.mulf %sub3A_362, %sub3A_362 : vector<512x2048xf32>
    %add3A_370 = arith.addf %mul3A_368, %mul3A_369 : vector<512x2048xf32>
    %mul3A_371 = arith.mulf %sub3A_367, %sub3A_367 : vector<512x2048xf32>
    %add3A_372 = arith.addf %add3A_370, %mul3A_371 : vector<512x2048xf32>
    %slice3A_373 = vector.extract_strided_slice %squeeze3A {offsets = [3072, 3], sizes = [512, 1], strides = [1, 1]} : vector<5120x8xf32> to vector<512x1xf32>
    %slice3A_374 = vector.extract_strided_slice %squeeze3A {offsets = [3072, 4], sizes = [512, 1], strides = [1, 1]} : vector<5120x8xf32> to vector<512x1xf32>
    %slice3A_375 = vector.extract_strided_slice %squeeze3A_10 {offsets = [4, 3072], sizes = [1, 2048], strides = [1, 1]} : vector<8x5120xf32> to vector<1x2048xf32>
    %iota3A_376 = tpu.iota {dimensions = array<i32: 0>} : vector<512x2048xi32>
    %iota3A_377 = tpu.iota {dimensions = array<i32: 1>} : vector<512x2048xi32>
    %mul3A_378 = arith.mulf %slice3A_373, %slice3A_373 : vector<512x1xf32>
    %lt3A_379 = vector.broadcast %mul3A_378 : vector<512x1xf32> to vector<512x2048xf32>
    %lt3A_380 = arith.cmpf olt, %add3A_372, %lt3A_379 : vector<512x2048xf32>
    %eq3A_381 = vector.broadcast %slice3A_374 : vector<512x1xf32> to vector<512x2048xf32>
    %eq3A_382 = vector.broadcast %slice3A_375 : vector<1x2048xf32> to vector<512x2048xf32>
    %eq3A_383 = arith.cmpf oeq, %eq3A_381, %eq3A_382 : vector<512x2048xf32>
    %and3A_384 = arith.andi %lt3A_380, %eq3A_383 : vector<512x2048xi1>
    %gt3A_385 = arith.cmpi sgt, %iota3A_377, %iota3A_376 : vector<512x2048xi32>
    %and3A_386 = arith.andi %and3A_384, %gt3A_385 : vector<512x2048xi1>
    %convert_element_type3A_387 = arith.extui %and3A_386 : vector<512x2048xi1> to vector<512x2048xi32>
    %convert_element_type3A_388 = arith.sitofp %convert_element_type3A_387 : vector<512x2048xi32> to vector<512x2048xf32>
    %slice3A_389 = vector.extract_strided_slice %convert_element_type3A_388 {offsets = [0, 0], sizes = [512, 512], strides = [1, 1]} : vector<512x2048xf32> to vector<512x512xf32>
    %get3A_390 = arith.constant 0 : index
    %get3A_391 = arith.constant 3072 : index
    %get3A_392 = vector.load %arg7[%get3A_390, %get3A_391] : memref<1x5120xf32, #tpu.memory_space<vmem>>, vector<1x512xf32>
    %broadcast_in_dim3A_393 = vector.shape_cast %get3A_392 : vector<1x512xf32> to vector<1x512xf32>
    %broadcast_in_dim3A_394 = vector.broadcast %broadcast_in_dim3A_393 : vector<1x512xf32> to vector<8x512xf32>
    %while3A_395 = arith.constant false
    %while3A_396:2 = scf.while (%while3A_930 = %broadcast_in_dim3A_394, %while3A_931 = %while3A_395) : (vector<8x512xf32>, i1) -> (vector<8x512xf32>, i1) {
      %not3A = arith.constant true
      %not3A_932 = arith.xori %while3A_931, %not3A : i1
      scf.condition(%not3A_932) %while3A_930, %while3A_931 : vector<8x512xf32>, i1
    } do {
    ^bb0(%while3A_930: vector<8x512xf32>, %while3A_931: i1):
      %dot_general3A_932 = arith.constant dense<0.000000e+00> : vector<8x512xf32>
      %dot_general3A_933 = tpu.matmul %while3A_930, %slice3A_389, %dot_general3A_932 {dimension_numbers = #tpu.dot_dimension_numbers<[1], [0], [0], [1], [0, 0, 1, 1], [], []>, transpose_lhs_hint = false} : vector<8x512xf32>, vector<512x512xf32>, vector<8x512xf32> -> vector<8x512xf32>
      %eq3A_934 = arith.constant 0.000000e+00 : f32
      %eq3A_935 = vector.broadcast %eq3A_934 : f32 to vector<8x512xf32>
      %eq3A_936 = arith.cmpf oeq, %dot_general3A_933, %eq3A_935 : vector<8x512xf32>
      %convert_element_type3A_937 = arith.extui %eq3A_936 : vector<8x512xi1> to vector<8x512xi32>
      %convert_element_type3A_938 = arith.sitofp %convert_element_type3A_937 : vector<8x512xi32> to vector<8x512xf32>
      %mul3A_939 = arith.mulf %broadcast_in_dim3A_394, %convert_element_type3A_938 : vector<8x512xf32>
      %eq3A_940 = arith.cmpf oeq, %mul3A_939, %while3A_930 : vector<8x512xf32>
      %reduce_and3A = arith.constant 1.000000e+00 : f32
      %reduce_and3A_941 = arith.constant 0.000000e+00 : f32
      %reduce_and3A_942 = vector.broadcast %reduce_and3A : f32 to vector<8x512xf32>
      %reduce_and3A_943 = vector.broadcast %reduce_and3A_941 : f32 to vector<8x512xf32>
      %reduce_and3A_944 = arith.select %eq3A_940, %reduce_and3A_942, %reduce_and3A_943 : vector<8x512xi1>, vector<8x512xf32>
      %reduce_and3A_945 = vector.shape_cast %reduce_and3A_944 : vector<8x512xf32> to vector<1x8x512xf32>
      %reduce_and3A_946 = arith.constant dense<0x7F800000> : vector<1xf32>
      %reduce_and3A_947 = vector.multi_reduction <minimumf>, %reduce_and3A_945, %reduce_and3A_946 [1, 2] : vector<1x8x512xf32> to vector<1xf32>
      %reduce_and3A_948 = vector.shape_cast %reduce_and3A_947 : vector<1xf32> to vector<1x1x1xf32>
      %reduce_and3A_949 = vector.extract %reduce_and3A_948[0, 0, 0] : f32 from vector<1x1x1xf32>
      %reduce_and3A_950 = arith.constant 0.000000e+00 : f32
      %reduce_and3A_951 = arith.cmpf ogt, %reduce_and3A_949, %reduce_and3A_950 : f32
      scf.yield %mul3A_939, %reduce_and3A_951 : vector<8x512xf32>, i1
    }
    %dot_general3A_397 = arith.constant dense<0.000000e+00> : vector<8x2048xf32>
    %dot_general3A_398 = tpu.matmul %while3A_396#0, %convert_element_type3A_388, %dot_general3A_397 {dimension_numbers = #tpu.dot_dimension_numbers<[1], [0], [0], [1], [0, 0, 1, 1], [], []>, transpose_lhs_hint = false} : vector<8x512xf32>, vector<512x2048xf32>, vector<8x2048xf32> -> vector<8x2048xf32>
    %slice3A_399 = vector.extract_strided_slice %dot_general3A_398 {offsets = [0, 0], sizes = [1, 2048], strides = [1, 1]} : vector<8x2048xf32> to vector<1x2048xf32>
    %eq3A_400 = arith.constant 0.000000e+00 : f32
    %eq3A_401 = vector.broadcast %eq3A_400 : f32 to vector<1x2048xf32>
    %eq3A_402 = arith.cmpf oeq, %slice3A_399, %eq3A_401 : vector<1x2048xf32>
    %convert_element_type3A_403 = arith.extui %eq3A_402 : vector<1x2048xi1> to vector<1x2048xi32>
    %convert_element_type3A_404 = arith.sitofp %convert_element_type3A_403 : vector<1x2048xi32> to vector<1x2048xf32>
    %get3A_405 = arith.constant 0 : index
    %get3A_406 = arith.constant 3072 : index
    %get3A_407 = vector.load %arg7[%get3A_405, %get3A_406] : memref<1x5120xf32, #tpu.memory_space<vmem>>, vector<1x2048xf32>
    %mul3A_408 = arith.mulf %get3A_407, %convert_element_type3A_404 : vector<1x2048xf32>
    %swap3A_409 = arith.constant 0 : index
    %swap3A_410 = arith.constant 3072 : index
    %swap3A_411 = vector.load %arg7[%swap3A_409, %swap3A_410] : memref<1x5120xf32, #tpu.memory_space<vmem>>, vector<1x2048xf32>
    tpu.vector_store %arg7[%swap3A_409, %swap3A_410], %mul3A_408 {strides = array<i32>} : memref<1x5120xf32, #tpu.memory_space<vmem>>, vector<1x2048xf32>,
    %slice3A_412 = vector.extract_strided_slice %squeeze3A {offsets = [3584, 0], sizes = [512, 1], strides = [1, 1]} : vector<5120x8xf32> to vector<512x1xf32>
    %slice3A_413 = vector.extract_strided_slice %squeeze3A_10 {offsets = [0, 3584], sizes = [1, 1536], strides = [1, 1]} : vector<8x5120xf32> to vector<1x1536xf32>
    %sub3A_414 = vector.broadcast %slice3A_412 : vector<512x1xf32> to vector<512x1536xf32>
    %sub3A_415 = vector.broadcast %slice3A_413 : vector<1x1536xf32> to vector<512x1536xf32>
    %sub3A_416 = arith.subf %sub3A_414, %sub3A_415 : vector<512x1536xf32>
    %slice3A_417 = vector.extract_strided_slice %squeeze3A {offsets = [3584, 1], sizes = [512, 1], strides = [1, 1]} : vector<5120x8xf32> to vector<512x1xf32>
    %slice3A_418 = vector.extract_strided_slice %squeeze3A_10 {offsets = [1, 3584], sizes = [1, 1536], strides = [1, 1]} : vector<8x5120xf32> to vector<1x1536xf32>
    %sub3A_419 = vector.broadcast %slice3A_417 : vector<512x1xf32> to vector<512x1536xf32>
    %sub3A_420 = vector.broadcast %slice3A_418 : vector<1x1536xf32> to vector<512x1536xf32>
    %sub3A_421 = arith.subf %sub3A_419, %sub3A_420 : vector<512x1536xf32>
    %slice3A_422 = vector.extract_strided_slice %squeeze3A {offsets = [3584, 2], sizes = [512, 1], strides = [1, 1]} : vector<5120x8xf32> to vector<512x1xf32>
    %slice3A_423 = vector.extract_strided_slice %squeeze3A_10 {offsets = [2, 3584], sizes = [1, 1536], strides = [1, 1]} : vector<8x5120xf32> to vector<1x1536xf32>
    %sub3A_424 = vector.broadcast %slice3A_422 : vector<512x1xf32> to vector<512x1536xf32>
    %sub3A_425 = vector.broadcast %slice3A_423 : vector<1x1536xf32> to vector<512x1536xf32>
    %sub3A_426 = arith.subf %sub3A_424, %sub3A_425 : vector<512x1536xf32>
    %mul3A_427 = arith.mulf %sub3A_416, %sub3A_416 : vector<512x1536xf32>
    %mul3A_428 = arith.mulf %sub3A_421, %sub3A_421 : vector<512x1536xf32>
    %add3A_429 = arith.addf %mul3A_427, %mul3A_428 : vector<512x1536xf32>
    %mul3A_430 = arith.mulf %sub3A_426, %sub3A_426 : vector<512x1536xf32>
    %add3A_431 = arith.addf %add3A_429, %mul3A_430 : vector<512x1536xf32>
    %slice3A_432 = vector.extract_strided_slice %squeeze3A {offsets = [3584, 3], sizes = [512, 1], strides = [1, 1]} : vector<5120x8xf32> to vector<512x1xf32>
    %slice3A_433 = vector.extract_strided_slice %squeeze3A {offsets = [3584, 4], sizes = [512, 1], strides = [1, 1]} : vector<5120x8xf32> to vector<512x1xf32>
    %slice3A_434 = vector.extract_strided_slice %squeeze3A_10 {offsets = [4, 3584], sizes = [1, 1536], strides = [1, 1]} : vector<8x5120xf32> to vector<1x1536xf32>
    %iota3A_435 = tpu.iota {dimensions = array<i32: 0>} : vector<512x1536xi32>
    %iota3A_436 = tpu.iota {dimensions = array<i32: 1>} : vector<512x1536xi32>
    %mul3A_437 = arith.mulf %slice3A_432, %slice3A_432 : vector<512x1xf32>
    %lt3A_438 = vector.broadcast %mul3A_437 : vector<512x1xf32> to vector<512x1536xf32>
    %lt3A_439 = arith.cmpf olt, %add3A_431, %lt3A_438 : vector<512x1536xf32>
    %eq3A_440 = vector.broadcast %slice3A_433 : vector<512x1xf32> to vector<512x1536xf32>
    %eq3A_441 = vector.broadcast %slice3A_434 : vector<1x1536xf32> to vector<512x1536xf32>
    %eq3A_442 = arith.cmpf oeq, %eq3A_440, %eq3A_441 : vector<512x1536xf32>
    %and3A_443 = arith.andi %lt3A_439, %eq3A_442 : vector<512x1536xi1>
    %gt3A_444 = arith.cmpi sgt, %iota3A_436, %iota3A_435 : vector<512x1536xi32>
    %and3A_445 = arith.andi %and3A_443, %gt3A_444 : vector<512x1536xi1>
    %convert_element_type3A_446 = arith.extui %and3A_445 : vector<512x1536xi1> to vector<512x1536xi32>
    %convert_element_type3A_447 = arith.sitofp %convert_element_type3A_446 : vector<512x1536xi32> to vector<512x1536xf32>
    %slice3A_448 = vector.extract_strided_slice %convert_element_type3A_447 {offsets = [0, 0], sizes = [512, 512], strides = [1, 1]} : vector<512x1536xf32> to vector<512x512xf32>
    %get3A_449 = arith.constant 0 : index
    %get3A_450 = arith.constant 3584 : index
    %get3A_451 = vector.load %arg7[%get3A_449, %get3A_450] : memref<1x5120xf32, #tpu.memory_space<vmem>>, vector<1x512xf32>
    %broadcast_in_dim3A_452 = vector.shape_cast %get3A_451 : vector<1x512xf32> to vector<1x512xf32>
    %broadcast_in_dim3A_453 = vector.broadcast %broadcast_in_dim3A_452 : vector<1x512xf32> to vector<8x512xf32>
    %while3A_454 = arith.constant false
    %while3A_455:2 = scf.while (%while3A_930 = %broadcast_in_dim3A_453, %while3A_931 = %while3A_454) : (vector<8x512xf32>, i1) -> (vector<8x512xf32>, i1) {
      %not3A = arith.constant true
      %not3A_932 = arith.xori %while3A_931, %not3A : i1
      scf.condition(%not3A_932) %while3A_930, %while3A_931 : vector<8x512xf32>, i1
    } do {
    ^bb0(%while3A_930: vector<8x512xf32>, %while3A_931: i1):
      %dot_general3A_932 = arith.constant dense<0.000000e+00> : vector<8x512xf32>
      %dot_general3A_933 = tpu.matmul %while3A_930, %slice3A_448, %dot_general3A_932 {dimension_numbers = #tpu.dot_dimension_numbers<[1], [0], [0], [1], [0, 0, 1, 1], [], []>, transpose_lhs_hint = false} : vector<8x512xf32>, vector<512x512xf32>, vector<8x512xf32> -> vector<8x512xf32>
      %eq3A_934 = arith.constant 0.000000e+00 : f32
      %eq3A_935 = vector.broadcast %eq3A_934 : f32 to vector<8x512xf32>
      %eq3A_936 = arith.cmpf oeq, %dot_general3A_933, %eq3A_935 : vector<8x512xf32>
      %convert_element_type3A_937 = arith.extui %eq3A_936 : vector<8x512xi1> to vector<8x512xi32>
      %convert_element_type3A_938 = arith.sitofp %convert_element_type3A_937 : vector<8x512xi32> to vector<8x512xf32>
      %mul3A_939 = arith.mulf %broadcast_in_dim3A_453, %convert_element_type3A_938 : vector<8x512xf32>
      %eq3A_940 = arith.cmpf oeq, %mul3A_939, %while3A_930 : vector<8x512xf32>
      %reduce_and3A = arith.constant 1.000000e+00 : f32
      %reduce_and3A_941 = arith.constant 0.000000e+00 : f32
      %reduce_and3A_942 = vector.broadcast %reduce_and3A : f32 to vector<8x512xf32>
      %reduce_and3A_943 = vector.broadcast %reduce_and3A_941 : f32 to vector<8x512xf32>
      %reduce_and3A_944 = arith.select %eq3A_940, %reduce_and3A_942, %reduce_and3A_943 : vector<8x512xi1>, vector<8x512xf32>
      %reduce_and3A_945 = vector.shape_cast %reduce_and3A_944 : vector<8x512xf32> to vector<1x8x512xf32>
      %reduce_and3A_946 = arith.constant dense<0x7F800000> : vector<1xf32>
      %reduce_and3A_947 = vector.multi_reduction <minimumf>, %reduce_and3A_945, %reduce_and3A_946 [1, 2] : vector<1x8x512xf32> to vector<1xf32>
      %reduce_and3A_948 = vector.shape_cast %reduce_and3A_947 : vector<1xf32> to vector<1x1x1xf32>
      %reduce_and3A_949 = vector.extract %reduce_and3A_948[0, 0, 0] : f32 from vector<1x1x1xf32>
      %reduce_and3A_950 = arith.constant 0.000000e+00 : f32
      %reduce_and3A_951 = arith.cmpf ogt, %reduce_and3A_949, %reduce_and3A_950 : f32
      scf.yield %mul3A_939, %reduce_and3A_951 : vector<8x512xf32>, i1
    }
    %dot_general3A_456 = arith.constant dense<0.000000e+00> : vector<8x1536xf32>
    %dot_general3A_457 = tpu.matmul %while3A_455#0, %convert_element_type3A_447, %dot_general3A_456 {dimension_numbers = #tpu.dot_dimension_numbers<[1], [0], [0], [1], [0, 0, 1, 1], [], []>, transpose_lhs_hint = false} : vector<8x512xf32>, vector<512x1536xf32>, vector<8x1536xf32> -> vector<8x1536xf32>
    %slice3A_458 = vector.extract_strided_slice %dot_general3A_457 {offsets = [0, 0], sizes = [1, 1536], strides = [1, 1]} : vector<8x1536xf32> to vector<1x1536xf32>
    %eq3A_459 = arith.constant 0.000000e+00 : f32
    %eq3A_460 = vector.broadcast %eq3A_459 : f32 to vector<1x1536xf32>
    %eq3A_461 = arith.cmpf oeq, %slice3A_458, %eq3A_460 : vector<1x1536xf32>
    %convert_element_type3A_462 = arith.extui %eq3A_461 : vector<1x1536xi1> to vector<1x1536xi32>
    %convert_element_type3A_463 = arith.sitofp %convert_element_type3A_462 : vector<1x1536xi32> to vector<1x1536xf32>
    %get3A_464 = arith.constant 0 : index
    %get3A_465 = arith.constant 3584 : index
    %get3A_466 = vector.load %arg7[%get3A_464, %get3A_465] : memref<1x5120xf32, #tpu.memory_space<vmem>>, vector<1x1536xf32>
    %mul3A_467 = arith.mulf %get3A_466, %convert_element_type3A_463 : vector<1x1536xf32>
    %swap3A_468 = arith.constant 0 : index
    %swap3A_469 = arith.constant 3584 : index
    %swap3A_470 = vector.load %arg7[%swap3A_468, %swap3A_469] : memref<1x5120xf32, #tpu.memory_space<vmem>>, vector<1x1536xf32>
    tpu.vector_store %arg7[%swap3A_468, %swap3A_469], %mul3A_467 {strides = array<i32>} : memref<1x5120xf32, #tpu.memory_space<vmem>>, vector<1x1536xf32>,
    %slice3A_471 = vector.extract_strided_slice %squeeze3A {offsets = [4096, 0], sizes = [512, 1], strides = [1, 1]} : vector<5120x8xf32> to vector<512x1xf32>
    %slice3A_472 = vector.extract_strided_slice %squeeze3A_10 {offsets = [0, 4096], sizes = [1, 1024], strides = [1, 1]} : vector<8x5120xf32> to vector<1x1024xf32>
    %sub3A_473 = vector.broadcast %slice3A_471 : vector<512x1xf32> to vector<512x1024xf32>
    %sub3A_474 = vector.broadcast %slice3A_472 : vector<1x1024xf32> to vector<512x1024xf32>
    %sub3A_475 = arith.subf %sub3A_473, %sub3A_474 : vector<512x1024xf32>
    %slice3A_476 = vector.extract_strided_slice %squeeze3A {offsets = [4096, 1], sizes = [512, 1], strides = [1, 1]} : vector<5120x8xf32> to vector<512x1xf32>
    %slice3A_477 = vector.extract_strided_slice %squeeze3A_10 {offsets = [1, 4096], sizes = [1, 1024], strides = [1, 1]} : vector<8x5120xf32> to vector<1x1024xf32>
    %sub3A_478 = vector.broadcast %slice3A_476 : vector<512x1xf32> to vector<512x1024xf32>
    %sub3A_479 = vector.broadcast %slice3A_477 : vector<1x1024xf32> to vector<512x1024xf32>
    %sub3A_480 = arith.subf %sub3A_478, %sub3A_479 : vector<512x1024xf32>
    %slice3A_481 = vector.extract_strided_slice %squeeze3A {offsets = [4096, 2], sizes = [512, 1], strides = [1, 1]} : vector<5120x8xf32> to vector<512x1xf32>
    %slice3A_482 = vector.extract_strided_slice %squeeze3A_10 {offsets = [2, 4096], sizes = [1, 1024], strides = [1, 1]} : vector<8x5120xf32> to vector<1x1024xf32>
    %sub3A_483 = vector.broadcast %slice3A_481 : vector<512x1xf32> to vector<512x1024xf32>
    %sub3A_484 = vector.broadcast %slice3A_482 : vector<1x1024xf32> to vector<512x1024xf32>
    %sub3A_485 = arith.subf %sub3A_483, %sub3A_484 : vector<512x1024xf32>
    %mul3A_486 = arith.mulf %sub3A_475, %sub3A_475 : vector<512x1024xf32>
    %mul3A_487 = arith.mulf %sub3A_480, %sub3A_480 : vector<512x1024xf32>
    %add3A_488 = arith.addf %mul3A_486, %mul3A_487 : vector<512x1024xf32>
    %mul3A_489 = arith.mulf %sub3A_485, %sub3A_485 : vector<512x1024xf32>
    %add3A_490 = arith.addf %add3A_488, %mul3A_489 : vector<512x1024xf32>
    %slice3A_491 = vector.extract_strided_slice %squeeze3A {offsets = [4096, 3], sizes = [512, 1], strides = [1, 1]} : vector<5120x8xf32> to vector<512x1xf32>
    %slice3A_492 = vector.extract_strided_slice %squeeze3A {offsets = [4096, 4], sizes = [512, 1], strides = [1, 1]} : vector<5120x8xf32> to vector<512x1xf32>
    %slice3A_493 = vector.extract_strided_slice %squeeze3A_10 {offsets = [4, 4096], sizes = [1, 1024], strides = [1, 1]} : vector<8x5120xf32> to vector<1x1024xf32>
    %iota3A_494 = tpu.iota {dimensions = array<i32: 0>} : vector<512x1024xi32>
    %iota3A_495 = tpu.iota {dimensions = array<i32: 1>} : vector<512x1024xi32>
    %mul3A_496 = arith.mulf %slice3A_491, %slice3A_491 : vector<512x1xf32>
    %lt3A_497 = vector.broadcast %mul3A_496 : vector<512x1xf32> to vector<512x1024xf32>
    %lt3A_498 = arith.cmpf olt, %add3A_490, %lt3A_497 : vector<512x1024xf32>
    %eq3A_499 = vector.broadcast %slice3A_492 : vector<512x1xf32> to vector<512x1024xf32>
    %eq3A_500 = vector.broadcast %slice3A_493 : vector<1x1024xf32> to vector<512x1024xf32>
    %eq3A_501 = arith.cmpf oeq, %eq3A_499, %eq3A_500 : vector<512x1024xf32>
    %and3A_502 = arith.andi %lt3A_498, %eq3A_501 : vector<512x1024xi1>
    %gt3A_503 = arith.cmpi sgt, %iota3A_495, %iota3A_494 : vector<512x1024xi32>
    %and3A_504 = arith.andi %and3A_502, %gt3A_503 : vector<512x1024xi1>
    %convert_element_type3A_505 = arith.extui %and3A_504 : vector<512x1024xi1> to vector<512x1024xi32>
    %convert_element_type3A_506 = arith.sitofp %convert_element_type3A_505 : vector<512x1024xi32> to vector<512x1024xf32>
    %slice3A_507 = vector.extract_strided_slice %convert_element_type3A_506 {offsets = [0, 0], sizes = [512, 512], strides = [1, 1]} : vector<512x1024xf32> to vector<512x512xf32>
    %get3A_508 = arith.constant 0 : index
    %get3A_509 = arith.constant 4096 : index
    %get3A_510 = vector.load %arg7[%get3A_508, %get3A_509] : memref<1x5120xf32, #tpu.memory_space<vmem>>, vector<1x512xf32>
    %broadcast_in_dim3A_511 = vector.shape_cast %get3A_510 : vector<1x512xf32> to vector<1x512xf32>
    %broadcast_in_dim3A_512 = vector.broadcast %broadcast_in_dim3A_511 : vector<1x512xf32> to vector<8x512xf32>
    %while3A_513 = arith.constant false
    %while3A_514:2 = scf.while (%while3A_930 = %broadcast_in_dim3A_512, %while3A_931 = %while3A_513) : (vector<8x512xf32>, i1) -> (vector<8x512xf32>, i1) {
      %not3A = arith.constant true
      %not3A_932 = arith.xori %while3A_931, %not3A : i1
      scf.condition(%not3A_932) %while3A_930, %while3A_931 : vector<8x512xf32>, i1
    } do {
    ^bb0(%while3A_930: vector<8x512xf32>, %while3A_931: i1):
      %dot_general3A_932 = arith.constant dense<0.000000e+00> : vector<8x512xf32>
      %dot_general3A_933 = tpu.matmul %while3A_930, %slice3A_507, %dot_general3A_932 {dimension_numbers = #tpu.dot_dimension_numbers<[1], [0], [0], [1], [0, 0, 1, 1], [], []>, transpose_lhs_hint = false} : vector<8x512xf32>, vector<512x512xf32>, vector<8x512xf32> -> vector<8x512xf32>
      %eq3A_934 = arith.constant 0.000000e+00 : f32
      %eq3A_935 = vector.broadcast %eq3A_934 : f32 to vector<8x512xf32>
      %eq3A_936 = arith.cmpf oeq, %dot_general3A_933, %eq3A_935 : vector<8x512xf32>
      %convert_element_type3A_937 = arith.extui %eq3A_936 : vector<8x512xi1> to vector<8x512xi32>
      %convert_element_type3A_938 = arith.sitofp %convert_element_type3A_937 : vector<8x512xi32> to vector<8x512xf32>
      %mul3A_939 = arith.mulf %broadcast_in_dim3A_512, %convert_element_type3A_938 : vector<8x512xf32>
      %eq3A_940 = arith.cmpf oeq, %mul3A_939, %while3A_930 : vector<8x512xf32>
      %reduce_and3A = arith.constant 1.000000e+00 : f32
      %reduce_and3A_941 = arith.constant 0.000000e+00 : f32
      %reduce_and3A_942 = vector.broadcast %reduce_and3A : f32 to vector<8x512xf32>
      %reduce_and3A_943 = vector.broadcast %reduce_and3A_941 : f32 to vector<8x512xf32>
      %reduce_and3A_944 = arith.select %eq3A_940, %reduce_and3A_942, %reduce_and3A_943 : vector<8x512xi1>, vector<8x512xf32>
      %reduce_and3A_945 = vector.shape_cast %reduce_and3A_944 : vector<8x512xf32> to vector<1x8x512xf32>
      %reduce_and3A_946 = arith.constant dense<0x7F800000> : vector<1xf32>
      %reduce_and3A_947 = vector.multi_reduction <minimumf>, %reduce_and3A_945, %reduce_and3A_946 [1, 2] : vector<1x8x512xf32> to vector<1xf32>
      %reduce_and3A_948 = vector.shape_cast %reduce_and3A_947 : vector<1xf32> to vector<1x1x1xf32>
      %reduce_and3A_949 = vector.extract %reduce_and3A_948[0, 0, 0] : f32 from vector<1x1x1xf32>
      %reduce_and3A_950 = arith.constant 0.000000e+00 : f32
      %reduce_and3A_951 = arith.cmpf ogt, %reduce_and3A_949, %reduce_and3A_950 : f32
      scf.yield %mul3A_939, %reduce_and3A_951 : vector<8x512xf32>, i1
    }
    %dot_general3A_515 = arith.constant dense<0.000000e+00> : vector<8x1024xf32>
    %dot_general3A_516 = tpu.matmul %while3A_514#0, %convert_element_type3A_506, %dot_general3A_515 {dimension_numbers = #tpu.dot_dimension_numbers<[1], [0], [0], [1], [0, 0, 1, 1], [], []>, transpose_lhs_hint = false} : vector<8x512xf32>, vector<512x1024xf32>, vector<8x1024xf32> -> vector<8x1024xf32>
    %slice3A_517 = vector.extract_strided_slice %dot_general3A_516 {offsets = [0, 0], sizes = [1, 1024], strides = [1, 1]} : vector<8x1024xf32> to vector<1x1024xf32>
    %eq3A_518 = arith.constant 0.000000e+00 : f32
    %eq3A_519 = vector.broadcast %eq3A_518 : f32 to vector<1x1024xf32>
    %eq3A_520 = arith.cmpf oeq, %slice3A_517, %eq3A_519 : vector<1x1024xf32>
    %convert_element_type3A_521 = arith.extui %eq3A_520 : vector<1x1024xi1> to vector<1x1024xi32>
    %convert_element_type3A_522 = arith.sitofp %convert_element_type3A_521 : vector<1x1024xi32> to vector<1x1024xf32>
    %get3A_523 = arith.constant 0 : index
    %get3A_524 = arith.constant 4096 : index
    %get3A_525 = vector.load %arg7[%get3A_523, %get3A_524] : memref<1x5120xf32, #tpu.memory_space<vmem>>, vector<1x1024xf32>
    %mul3A_526 = arith.mulf %get3A_525, %convert_element_type3A_522 : vector<1x1024xf32>
    %swap3A_527 = arith.constant 0 : index
    %swap3A_528 = arith.constant 4096 : index
    %swap3A_529 = vector.load %arg7[%swap3A_527, %swap3A_528] : memref<1x5120xf32, #tpu.memory_space<vmem>>, vector<1x1024xf32>
    tpu.vector_store %arg7[%swap3A_527, %swap3A_528], %mul3A_526 {strides = array<i32>} : memref<1x5120xf32, #tpu.memory_space<vmem>>, vector<1x1024xf32>,
    %slice3A_530 = vector.extract_strided_slice %squeeze3A {offsets = [4608, 0], sizes = [512, 1], strides = [1, 1]} : vector<5120x8xf32> to vector<512x1xf32>
    %slice3A_531 = vector.extract_strided_slice %squeeze3A_10 {offsets = [0, 4608], sizes = [1, 512], strides = [1, 1]} : vector<8x5120xf32> to vector<1x512xf32>
    %sub3A_532 = vector.broadcast %slice3A_530 : vector<512x1xf32> to vector<512x512xf32>
    %sub3A_533 = vector.broadcast %slice3A_531 : vector<1x512xf32> to vector<512x512xf32>
    %sub3A_534 = arith.subf %sub3A_532, %sub3A_533 : vector<512x512xf32>
    %slice3A_535 = vector.extract_strided_slice %squeeze3A {offsets = [4608, 1], sizes = [512, 1], strides = [1, 1]} : vector<5120x8xf32> to vector<512x1xf32>
    %slice3A_536 = vector.extract_strided_slice %squeeze3A_10 {offsets = [1, 4608], sizes = [1, 512], strides = [1, 1]} : vector<8x5120xf32> to vector<1x512xf32>
    %sub3A_537 = vector.broadcast %slice3A_535 : vector<512x1xf32> to vector<512x512xf32>
    %sub3A_538 = vector.broadcast %slice3A_536 : vector<1x512xf32> to vector<512x512xf32>
    %sub3A_539 = arith.subf %sub3A_537, %sub3A_538 : vector<512x512xf32>
    %slice3A_540 = vector.extract_strided_slice %squeeze3A {offsets = [4608, 2], sizes = [512, 1], strides = [1, 1]} : vector<5120x8xf32> to vector<512x1xf32>
    %slice3A_541 = vector.extract_strided_slice %squeeze3A_10 {offsets = [2, 4608], sizes = [1, 512], strides = [1, 1]} : vector<8x5120xf32> to vector<1x512xf32>
    %sub3A_542 = vector.broadcast %slice3A_540 : vector<512x1xf32> to vector<512x512xf32>
    %sub3A_543 = vector.broadcast %slice3A_541 : vector<1x512xf32> to vector<512x512xf32>
    %sub3A_544 = arith.subf %sub3A_542, %sub3A_543 : vector<512x512xf32>
    %mul3A_545 = arith.mulf %sub3A_534, %sub3A_534 : vector<512x512xf32>
    %mul3A_546 = arith.mulf %sub3A_539, %sub3A_539 : vector<512x512xf32>
    %add3A_547 = arith.addf %mul3A_545, %mul3A_546 : vector<512x512xf32>
    %mul3A_548 = arith.mulf %sub3A_544, %sub3A_544 : vector<512x512xf32>
    %add3A_549 = arith.addf %add3A_547, %mul3A_548 : vector<512x512xf32>
    %slice3A_550 = vector.extract_strided_slice %squeeze3A {offsets = [4608, 3], sizes = [512, 1], strides = [1, 1]} : vector<5120x8xf32> to vector<512x1xf32>
    %slice3A_551 = vector.extract_strided_slice %squeeze3A {offsets = [4608, 4], sizes = [512, 1], strides = [1, 1]} : vector<5120x8xf32> to vector<512x1xf32>
    %slice3A_552 = vector.extract_strided_slice %squeeze3A_10 {offsets = [4, 4608], sizes = [1, 512], strides = [1, 1]} : vector<8x5120xf32> to vector<1x512xf32>
    %iota3A_553 = tpu.iota {dimensions = array<i32: 0>} : vector<512x512xi32>
    %iota3A_554 = tpu.iota {dimensions = array<i32: 1>} : vector<512x512xi32>
    %mul3A_555 = arith.mulf %slice3A_550, %slice3A_550 : vector<512x1xf32>
    %lt3A_556 = vector.broadcast %mul3A_555 : vector<512x1xf32> to vector<512x512xf32>
    %lt3A_557 = arith.cmpf olt, %add3A_549, %lt3A_556 : vector<512x512xf32>
    %eq3A_558 = vector.broadcast %slice3A_551 : vector<512x1xf32> to vector<512x512xf32>
    %eq3A_559 = vector.broadcast %slice3A_552 : vector<1x512xf32> to vector<512x512xf32>
    %eq3A_560 = arith.cmpf oeq, %eq3A_558, %eq3A_559 : vector<512x512xf32>
    %and3A_561 = arith.andi %lt3A_557, %eq3A_560 : vector<512x512xi1>
    %gt3A_562 = arith.cmpi sgt, %iota3A_554, %iota3A_553 : vector<512x512xi32>
    %and3A_563 = arith.andi %and3A_561, %gt3A_562 : vector<512x512xi1>
    %convert_element_type3A_564 = arith.extui %and3A_563 : vector<512x512xi1> to vector<512x512xi32>
    %convert_element_type3A_565 = arith.sitofp %convert_element_type3A_564 : vector<512x512xi32> to vector<512x512xf32>
    %get3A_566 = arith.constant 0 : index
    %get3A_567 = arith.constant 4608 : index
    %get3A_568 = vector.load %arg7[%get3A_566, %get3A_567] : memref<1x5120xf32, #tpu.memory_space<vmem>>, vector<1x512xf32>
    %broadcast_in_dim3A_569 = vector.shape_cast %get3A_568 : vector<1x512xf32> to vector<1x512xf32>
    %broadcast_in_dim3A_570 = vector.broadcast %broadcast_in_dim3A_569 : vector<1x512xf32> to vector<8x512xf32>
    %while3A_571 = arith.constant false
    %while3A_572:2 = scf.while (%while3A_930 = %broadcast_in_dim3A_570, %while3A_931 = %while3A_571) : (vector<8x512xf32>, i1) -> (vector<8x512xf32>, i1) {
      %not3A = arith.constant true
      %not3A_932 = arith.xori %while3A_931, %not3A : i1
      scf.condition(%not3A_932) %while3A_930, %while3A_931 : vector<8x512xf32>, i1
    } do {
    ^bb0(%while3A_930: vector<8x512xf32>, %while3A_931: i1):
      %dot_general3A_932 = arith.constant dense<0.000000e+00> : vector<8x512xf32>
      %dot_general3A_933 = tpu.matmul %while3A_930, %convert_element_type3A_565, %dot_general3A_932 {dimension_numbers = #tpu.dot_dimension_numbers<[1], [0], [0], [1], [0, 0, 1, 1], [], []>, transpose_lhs_hint = false} : vector<8x512xf32>, vector<512x512xf32>, vector<8x512xf32> -> vector<8x512xf32>
      %eq3A_934 = arith.constant 0.000000e+00 : f32
      %eq3A_935 = vector.broadcast %eq3A_934 : f32 to vector<8x512xf32>
      %eq3A_936 = arith.cmpf oeq, %dot_general3A_933, %eq3A_935 : vector<8x512xf32>
      %convert_element_type3A_937 = arith.extui %eq3A_936 : vector<8x512xi1> to vector<8x512xi32>
      %convert_element_type3A_938 = arith.sitofp %convert_element_type3A_937 : vector<8x512xi32> to vector<8x512xf32>
      %mul3A_939 = arith.mulf %broadcast_in_dim3A_570, %convert_element_type3A_938 : vector<8x512xf32>
      %eq3A_940 = arith.cmpf oeq, %mul3A_939, %while3A_930 : vector<8x512xf32>
      %reduce_and3A = arith.constant 1.000000e+00 : f32
      %reduce_and3A_941 = arith.constant 0.000000e+00 : f32
      %reduce_and3A_942 = vector.broadcast %reduce_and3A : f32 to vector<8x512xf32>
      %reduce_and3A_943 = vector.broadcast %reduce_and3A_941 : f32 to vector<8x512xf32>
      %reduce_and3A_944 = arith.select %eq3A_940, %reduce_and3A_942, %reduce_and3A_943 : vector<8x512xi1>, vector<8x512xf32>
      %reduce_and3A_945 = vector.shape_cast %reduce_and3A_944 : vector<8x512xf32> to vector<1x8x512xf32>
      %reduce_and3A_946 = arith.constant dense<0x7F800000> : vector<1xf32>
      %reduce_and3A_947 = vector.multi_reduction <minimumf>, %reduce_and3A_945, %reduce_and3A_946 [1, 2] : vector<1x8x512xf32> to vector<1xf32>
      %reduce_and3A_948 = vector.shape_cast %reduce_and3A_947 : vector<1xf32> to vector<1x1x1xf32>
      %reduce_and3A_949 = vector.extract %reduce_and3A_948[0, 0, 0] : f32 from vector<1x1x1xf32>
      %reduce_and3A_950 = arith.constant 0.000000e+00 : f32
      %reduce_and3A_951 = arith.cmpf ogt, %reduce_and3A_949, %reduce_and3A_950 : f32
      scf.yield %mul3A_939, %reduce_and3A_951 : vector<8x512xf32>, i1
    }
    %dot_general3A_573 = arith.constant dense<0.000000e+00> : vector<8x512xf32>
    %dot_general3A_574 = tpu.matmul %while3A_572#0, %convert_element_type3A_565, %dot_general3A_573 {dimension_numbers = #tpu.dot_dimension_numbers<[1], [0], [0], [1], [0, 0, 1, 1], [], []>, transpose_lhs_hint = false} : vector<8x512xf32>, vector<512x512xf32>, vector<8x512xf32> -> vector<8x512xf32>
    %slice3A_575 = vector.extract_strided_slice %dot_general3A_574 {offsets = [0, 0], sizes = [1, 512], strides = [1, 1]} : vector<8x512xf32> to vector<1x512xf32>
    %eq3A_576 = arith.constant 0.000000e+00 : f32
    %eq3A_577 = vector.broadcast %eq3A_576 : f32 to vector<1x512xf32>
    %eq3A_578 = arith.cmpf oeq, %slice3A_575, %eq3A_577 : vector<1x512xf32>
    %convert_element_type3A_579 = arith.extui %eq3A_578 : vector<1x512xi1> to vector<1x512xi32>
    %convert_element_type3A_580 = arith.sitofp %convert_element_type3A_579 : vector<1x512xi32> to vector<1x512xf32>
    %get3A_581 = arith.constant 0 : index
    %get3A_582 = arith.constant 4608 : index
    %get3A_583 = vector.load %arg7[%get3A_581, %get3A_582] : memref<1x5120xf32, #tpu.memory_space<vmem>>, vector<1x512xf32>
    %mul3A_584 = arith.mulf %get3A_583, %convert_element_type3A_580 : vector<1x512xf32>
    %swap3A_585 = arith.constant 0 : index
    %swap3A_586 = arith.constant 4608 : index
    %swap3A_587 = vector.load %arg7[%swap3A_585, %swap3A_586] : memref<1x5120xf32, #tpu.memory_space<vmem>>, vector<1x512xf32>
    tpu.vector_store %arg7[%swap3A_585, %swap3A_586], %mul3A_584 {strides = array<i32>} : memref<1x5120xf32, #tpu.memory_space<vmem>>, vector<1x512xf32>,
    %get3A_588 = arith.constant 0 : index
    %get3A_589 = arith.constant 0 : index
    %get3A_590 = vector.load %arg7[%get3A_588, %get3A_589] : memref<1x5120xf32, #tpu.memory_space<vmem>>, vector<1x5120xf32>
    %get3A_591 = arith.constant 0 : index
    %get3A_592 = arith.constant 0 : index
    %get3A_593 = arith.constant 0 : index
    %get3A_594 = vector.load %arg3[%get3A_591, %get3A_592, %get3A_593] : memref<1x5120x1xi32, #tpu.memory_space<vmem>>, vector<1x512x1xi32>
    %get3A_595 = vector.shape_cast %get3A_594 : vector<1x512x1xi32> to vector<512x1xi32>
    %iota3A_596 = tpu.iota {dimensions = array<i32: 1>} : vector<512x5120xi32>
    %eq3A_597 = vector.broadcast %get3A_595 : vector<512x1xi32> to vector<512x5120xi32>
    %eq3A_598 = arith.cmpi eq, %eq3A_597, %iota3A_596 : vector<512x5120xi32>
    %convert_element_type3A_599 = arith.extui %eq3A_598 : vector<512x5120xi1> to vector<512x5120xi32>
    %convert_element_type3A_600 = arith.sitofp %convert_element_type3A_599 : vector<512x5120xi32> to vector<512x5120xf32>
    %mul3A_601 = vector.broadcast %get3A_590 : vector<1x5120xf32> to vector<512x5120xf32>
    %mul3A_602 = arith.mulf %convert_element_type3A_600, %mul3A_601 : vector<512x5120xf32>
    %reduce_sum3A = arith.constant dense<0.000000e+00> : vector<512xf32>
    %reduce_sum3A_603 = vector.multi_reduction <add>, %mul3A_602, %reduce_sum3A [1] : vector<512x5120xf32> to vector<512xf32>
    %broadcast_in_dim3A_604 = vector.shape_cast %reduce_sum3A_603 : vector<512xf32> to vector<512x1xf32>
    %swap3A_605 = arith.constant 0 : index
    %swap3A_606 = arith.constant 0 : index
    %swap3A_607 = arith.constant 0 : index
    %swap3A_608 = vector.load %arg5[%swap3A_605, %swap3A_606, %swap3A_607] : memref<1x5120x1xf32, #tpu.memory_space<vmem>>, vector<1x512x1xf32>
    %swap3A_609 = vector.shape_cast %swap3A_608 : vector<1x512x1xf32> to vector<512x1xf32>
    %swap3A_610 = vector.shape_cast %broadcast_in_dim3A_604 : vector<512x1xf32> to vector<1x512x1xf32>
    tpu.vector_store %arg5[%swap3A_605, %swap3A_606, %swap3A_607], %swap3A_610 {strides = array<i32>} : memref<1x5120x1xf32, #tpu.memory_space<vmem>>, vector<1x512x1xf32>,
    %get3A_611 = arith.constant 0 : index
    %get3A_612 = arith.constant 0 : index
    %get3A_613 = arith.constant 0 : index
    %get3A_614 = vector.load %arg4[%get3A_611, %get3A_612, %get3A_613] : memref<1x5120x8xf32, #tpu.memory_space<vmem>>, vector<1x512x8xf32>
    %get3A_615 = vector.shape_cast %get3A_614 : vector<1x512x8xf32> to vector<512x8xf32>
    %mul3A_616 = vector.broadcast %broadcast_in_dim3A_604 : vector<512x1xf32> to vector<512x8xf32>
    %mul3A_617 = arith.mulf %get3A_615, %mul3A_616 : vector<512x8xf32>
    %swap3A_618 = arith.constant 0 : index
    %swap3A_619 = arith.constant 0 : index
    %swap3A_620 = arith.constant 0 : index
    %swap3A_621 = vector.load %arg6[%swap3A_618, %swap3A_619, %swap3A_620] : memref<1x5120x8xf32, #tpu.memory_space<vmem>>, vector<1x512x8xf32>
    %swap3A_622 = vector.shape_cast %swap3A_621 : vector<1x512x8xf32> to vector<512x8xf32>
    %swap3A_623 = vector.shape_cast %mul3A_617 : vector<512x8xf32> to vector<1x512x8xf32>
    tpu.vector_store %arg6[%swap3A_618, %swap3A_619, %swap3A_620], %swap3A_623 {strides = array<i32>} : memref<1x5120x8xf32, #tpu.memory_space<vmem>>, vector<1x512x8xf32>,
    %get3A_624 = arith.constant 0 : index
    %get3A_625 = arith.constant 512 : index
    %get3A_626 = arith.constant 0 : index
    %get3A_627 = vector.load %arg3[%get3A_624, %get3A_625, %get3A_626] : memref<1x5120x1xi32, #tpu.memory_space<vmem>>, vector<1x512x1xi32>
    %get3A_628 = vector.shape_cast %get3A_627 : vector<1x512x1xi32> to vector<512x1xi32>
    %iota3A_629 = tpu.iota {dimensions = array<i32: 1>} : vector<512x5120xi32>
    %eq3A_630 = vector.broadcast %get3A_628 : vector<512x1xi32> to vector<512x5120xi32>
    %eq3A_631 = arith.cmpi eq, %eq3A_630, %iota3A_629 : vector<512x5120xi32>
    %convert_element_type3A_632 = arith.extui %eq3A_631 : vector<512x5120xi1> to vector<512x5120xi32>
    %convert_element_type3A_633 = arith.sitofp %convert_element_type3A_632 : vector<512x5120xi32> to vector<512x5120xf32>
    %mul3A_634 = vector.broadcast %get3A_590 : vector<1x5120xf32> to vector<512x5120xf32>
    %mul3A_635 = arith.mulf %convert_element_type3A_633, %mul3A_634 : vector<512x5120xf32>
    %reduce_sum3A_636 = arith.constant dense<0.000000e+00> : vector<512xf32>
    %reduce_sum3A_637 = vector.multi_reduction <add>, %mul3A_635, %reduce_sum3A_636 [1] : vector<512x5120xf32> to vector<512xf32>
    %broadcast_in_dim3A_638 = vector.shape_cast %reduce_sum3A_637 : vector<512xf32> to vector<512x1xf32>
    %swap3A_639 = arith.constant 0 : index
    %swap3A_640 = arith.constant 512 : index
    %swap3A_641 = arith.constant 0 : index
    %swap3A_642 = vector.load %arg5[%swap3A_639, %swap3A_640, %swap3A_641] : memref<1x5120x1xf32, #tpu.memory_space<vmem>>, vector<1x512x1xf32>
    %swap3A_643 = vector.shape_cast %swap3A_642 : vector<1x512x1xf32> to vector<512x1xf32>
    %swap3A_644 = vector.shape_cast %broadcast_in_dim3A_638 : vector<512x1xf32> to vector<1x512x1xf32>
    tpu.vector_store %arg5[%swap3A_639, %swap3A_640, %swap3A_641], %swap3A_644 {strides = array<i32>} : memref<1x5120x1xf32, #tpu.memory_space<vmem>>, vector<1x512x1xf32>,
    %get3A_645 = arith.constant 0 : index
    %get3A_646 = arith.constant 512 : index
    %get3A_647 = arith.constant 0 : index
    %get3A_648 = vector.load %arg4[%get3A_645, %get3A_646, %get3A_647] : memref<1x5120x8xf32, #tpu.memory_space<vmem>>, vector<1x512x8xf32>
    %get3A_649 = vector.shape_cast %get3A_648 : vector<1x512x8xf32> to vector<512x8xf32>
    %mul3A_650 = vector.broadcast %broadcast_in_dim3A_638 : vector<512x1xf32> to vector<512x8xf32>
    %mul3A_651 = arith.mulf %get3A_649, %mul3A_650 : vector<512x8xf32>
    %swap3A_652 = arith.constant 0 : index
    %swap3A_653 = arith.constant 512 : index
    %swap3A_654 = arith.constant 0 : index
    %swap3A_655 = vector.load %arg6[%swap3A_652, %swap3A_653, %swap3A_654] : memref<1x5120x8xf32, #tpu.memory_space<vmem>>, vector<1x512x8xf32>
    %swap3A_656 = vector.shape_cast %swap3A_655 : vector<1x512x8xf32> to vector<512x8xf32>
    %swap3A_657 = vector.shape_cast %mul3A_651 : vector<512x8xf32> to vector<1x512x8xf32>
    tpu.vector_store %arg6[%swap3A_652, %swap3A_653, %swap3A_654], %swap3A_657 {strides = array<i32>} : memref<1x5120x8xf32, #tpu.memory_space<vmem>>, vector<1x512x8xf32>,
    %get3A_658 = arith.constant 0 : index
    %get3A_659 = arith.constant 1024 : index
    %get3A_660 = arith.constant 0 : index
    %get3A_661 = vector.load %arg3[%get3A_658, %get3A_659, %get3A_660] : memref<1x5120x1xi32, #tpu.memory_space<vmem>>, vector<1x512x1xi32>
    %get3A_662 = vector.shape_cast %get3A_661 : vector<1x512x1xi32> to vector<512x1xi32>
    %iota3A_663 = tpu.iota {dimensions = array<i32: 1>} : vector<512x5120xi32>
    %eq3A_664 = vector.broadcast %get3A_662 : vector<512x1xi32> to vector<512x5120xi32>
    %eq3A_665 = arith.cmpi eq, %eq3A_664, %iota3A_663 : vector<512x5120xi32>
    %convert_element_type3A_666 = arith.extui %eq3A_665 : vector<512x5120xi1> to vector<512x5120xi32>
    %convert_element_type3A_667 = arith.sitofp %convert_element_type3A_666 : vector<512x5120xi32> to vector<512x5120xf32>
    %mul3A_668 = vector.broadcast %get3A_590 : vector<1x5120xf32> to vector<512x5120xf32>
    %mul3A_669 = arith.mulf %convert_element_type3A_667, %mul3A_668 : vector<512x5120xf32>
    %reduce_sum3A_670 = arith.constant dense<0.000000e+00> : vector<512xf32>
    %reduce_sum3A_671 = vector.multi_reduction <add>, %mul3A_669, %reduce_sum3A_670 [1] : vector<512x5120xf32> to vector<512xf32>
    %broadcast_in_dim3A_672 = vector.shape_cast %reduce_sum3A_671 : vector<512xf32> to vector<512x1xf32>
    %swap3A_673 = arith.constant 0 : index
    %swap3A_674 = arith.constant 1024 : index
    %swap3A_675 = arith.constant 0 : index
    %swap3A_676 = vector.load %arg5[%swap3A_673, %swap3A_674, %swap3A_675] : memref<1x5120x1xf32, #tpu.memory_space<vmem>>, vector<1x512x1xf32>
    %swap3A_677 = vector.shape_cast %swap3A_676 : vector<1x512x1xf32> to vector<512x1xf32>
    %swap3A_678 = vector.shape_cast %broadcast_in_dim3A_672 : vector<512x1xf32> to vector<1x512x1xf32>
    tpu.vector_store %arg5[%swap3A_673, %swap3A_674, %swap3A_675], %swap3A_678 {strides = array<i32>} : memref<1x5120x1xf32, #tpu.memory_space<vmem>>, vector<1x512x1xf32>,
    %get3A_679 = arith.constant 0 : index
    %get3A_680 = arith.constant 1024 : index
    %get3A_681 = arith.constant 0 : index
    %get3A_682 = vector.load %arg4[%get3A_679, %get3A_680, %get3A_681] : memref<1x5120x8xf32, #tpu.memory_space<vmem>>, vector<1x512x8xf32>
    %get3A_683 = vector.shape_cast %get3A_682 : vector<1x512x8xf32> to vector<512x8xf32>
    %mul3A_684 = vector.broadcast %broadcast_in_dim3A_672 : vector<512x1xf32> to vector<512x8xf32>
    %mul3A_685 = arith.mulf %get3A_683, %mul3A_684 : vector<512x8xf32>
    %swap3A_686 = arith.constant 0 : index
    %swap3A_687 = arith.constant 1024 : index
    %swap3A_688 = arith.constant 0 : index
    %swap3A_689 = vector.load %arg6[%swap3A_686, %swap3A_687, %swap3A_688] : memref<1x5120x8xf32, #tpu.memory_space<vmem>>, vector<1x512x8xf32>
    %swap3A_690 = vector.shape_cast %swap3A_689 : vector<1x512x8xf32> to vector<512x8xf32>
    %swap3A_691 = vector.shape_cast %mul3A_685 : vector<512x8xf32> to vector<1x512x8xf32>
    tpu.vector_store %arg6[%swap3A_686, %swap3A_687, %swap3A_688], %swap3A_691 {strides = array<i32>} : memref<1x5120x8xf32, #tpu.memory_space<vmem>>, vector<1x512x8xf32>,
    %get3A_692 = arith.constant 0 : index
    %get3A_693 = arith.constant 1536 : index
    %get3A_694 = arith.constant 0 : index
    %get3A_695 = vector.load %arg3[%get3A_692, %get3A_693, %get3A_694] : memref<1x5120x1xi32, #tpu.memory_space<vmem>>, vector<1x512x1xi32>
    %get3A_696 = vector.shape_cast %get3A_695 : vector<1x512x1xi32> to vector<512x1xi32>
    %iota3A_697 = tpu.iota {dimensions = array<i32: 1>} : vector<512x5120xi32>
    %eq3A_698 = vector.broadcast %get3A_696 : vector<512x1xi32> to vector<512x5120xi32>
    %eq3A_699 = arith.cmpi eq, %eq3A_698, %iota3A_697 : vector<512x5120xi32>
    %convert_element_type3A_700 = arith.extui %eq3A_699 : vector<512x5120xi1> to vector<512x5120xi32>
    %convert_element_type3A_701 = arith.sitofp %convert_element_type3A_700 : vector<512x5120xi32> to vector<512x5120xf32>
    %mul3A_702 = vector.broadcast %get3A_590 : vector<1x5120xf32> to vector<512x5120xf32>
    %mul3A_703 = arith.mulf %convert_element_type3A_701, %mul3A_702 : vector<512x5120xf32>
    %reduce_sum3A_704 = arith.constant dense<0.000000e+00> : vector<512xf32>
    %reduce_sum3A_705 = vector.multi_reduction <add>, %mul3A_703, %reduce_sum3A_704 [1] : vector<512x5120xf32> to vector<512xf32>
    %broadcast_in_dim3A_706 = vector.shape_cast %reduce_sum3A_705 : vector<512xf32> to vector<512x1xf32>
    %swap3A_707 = arith.constant 0 : index
    %swap3A_708 = arith.constant 1536 : index
    %swap3A_709 = arith.constant 0 : index
    %swap3A_710 = vector.load %arg5[%swap3A_707, %swap3A_708, %swap3A_709] : memref<1x5120x1xf32, #tpu.memory_space<vmem>>, vector<1x512x1xf32>
    %swap3A_711 = vector.shape_cast %swap3A_710 : vector<1x512x1xf32> to vector<512x1xf32>
    %swap3A_712 = vector.shape_cast %broadcast_in_dim3A_706 : vector<512x1xf32> to vector<1x512x1xf32>
    tpu.vector_store %arg5[%swap3A_707, %swap3A_708, %swap3A_709], %swap3A_712 {strides = array<i32>} : memref<1x5120x1xf32, #tpu.memory_space<vmem>>, vector<1x512x1xf32>,
    %get3A_713 = arith.constant 0 : index
    %get3A_714 = arith.constant 1536 : index
    %get3A_715 = arith.constant 0 : index
    %get3A_716 = vector.load %arg4[%get3A_713, %get3A_714, %get3A_715] : memref<1x5120x8xf32, #tpu.memory_space<vmem>>, vector<1x512x8xf32>
    %get3A_717 = vector.shape_cast %get3A_716 : vector<1x512x8xf32> to vector<512x8xf32>
    %mul3A_718 = vector.broadcast %broadcast_in_dim3A_706 : vector<512x1xf32> to vector<512x8xf32>
    %mul3A_719 = arith.mulf %get3A_717, %mul3A_718 : vector<512x8xf32>
    %swap3A_720 = arith.constant 0 : index
    %swap3A_721 = arith.constant 1536 : index
    %swap3A_722 = arith.constant 0 : index
    %swap3A_723 = vector.load %arg6[%swap3A_720, %swap3A_721, %swap3A_722] : memref<1x5120x8xf32, #tpu.memory_space<vmem>>, vector<1x512x8xf32>
    %swap3A_724 = vector.shape_cast %swap3A_723 : vector<1x512x8xf32> to vector<512x8xf32>
    %swap3A_725 = vector.shape_cast %mul3A_719 : vector<512x8xf32> to vector<1x512x8xf32>
    tpu.vector_store %arg6[%swap3A_720, %swap3A_721, %swap3A_722], %swap3A_725 {strides = array<i32>} : memref<1x5120x8xf32, #tpu.memory_space<vmem>>, vector<1x512x8xf32>,
    %get3A_726 = arith.constant 0 : index
    %get3A_727 = arith.constant 2048 : index
    %get3A_728 = arith.constant 0 : index
    %get3A_729 = vector.load %arg3[%get3A_726, %get3A_727, %get3A_728] : memref<1x5120x1xi32, #tpu.memory_space<vmem>>, vector<1x512x1xi32>
    %get3A_730 = vector.shape_cast %get3A_729 : vector<1x512x1xi32> to vector<512x1xi32>
    %iota3A_731 = tpu.iota {dimensions = array<i32: 1>} : vector<512x5120xi32>
    %eq3A_732 = vector.broadcast %get3A_730 : vector<512x1xi32> to vector<512x5120xi32>
    %eq3A_733 = arith.cmpi eq, %eq3A_732, %iota3A_731 : vector<512x5120xi32>
    %convert_element_type3A_734 = arith.extui %eq3A_733 : vector<512x5120xi1> to vector<512x5120xi32>
    %convert_element_type3A_735 = arith.sitofp %convert_element_type3A_734 : vector<512x5120xi32> to vector<512x5120xf32>
    %mul3A_736 = vector.broadcast %get3A_590 : vector<1x5120xf32> to vector<512x5120xf32>
    %mul3A_737 = arith.mulf %convert_element_type3A_735, %mul3A_736 : vector<512x5120xf32>
    %reduce_sum3A_738 = arith.constant dense<0.000000e+00> : vector<512xf32>
    %reduce_sum3A_739 = vector.multi_reduction <add>, %mul3A_737, %reduce_sum3A_738 [1] : vector<512x5120xf32> to vector<512xf32>
    %broadcast_in_dim3A_740 = vector.shape_cast %reduce_sum3A_739 : vector<512xf32> to vector<512x1xf32>
    %swap3A_741 = arith.constant 0 : index
    %swap3A_742 = arith.constant 2048 : index
    %swap3A_743 = arith.constant 0 : index
    %swap3A_744 = vector.load %arg5[%swap3A_741, %swap3A_742, %swap3A_743] : memref<1x5120x1xf32, #tpu.memory_space<vmem>>, vector<1x512x1xf32>
    %swap3A_745 = vector.shape_cast %swap3A_744 : vector<1x512x1xf32> to vector<512x1xf32>
    %swap3A_746 = vector.shape_cast %broadcast_in_dim3A_740 : vector<512x1xf32> to vector<1x512x1xf32>
    tpu.vector_store %arg5[%swap3A_741, %swap3A_742, %swap3A_743], %swap3A_746 {strides = array<i32>} : memref<1x5120x1xf32, #tpu.memory_space<vmem>>, vector<1x512x1xf32>,
    %get3A_747 = arith.constant 0 : index
    %get3A_748 = arith.constant 2048 : index
    %get3A_749 = arith.constant 0 : index
    %get3A_750 = vector.load %arg4[%get3A_747, %get3A_748, %get3A_749] : memref<1x5120x8xf32, #tpu.memory_space<vmem>>, vector<1x512x8xf32>
    %get3A_751 = vector.shape_cast %get3A_750 : vector<1x512x8xf32> to vector<512x8xf32>
    %mul3A_752 = vector.broadcast %broadcast_in_dim3A_740 : vector<512x1xf32> to vector<512x8xf32>
    %mul3A_753 = arith.mulf %get3A_751, %mul3A_752 : vector<512x8xf32>
    %swap3A_754 = arith.constant 0 : index
    %swap3A_755 = arith.constant 2048 : index
    %swap3A_756 = arith.constant 0 : index
    %swap3A_757 = vector.load %arg6[%swap3A_754, %swap3A_755, %swap3A_756] : memref<1x5120x8xf32, #tpu.memory_space<vmem>>, vector<1x512x8xf32>
    %swap3A_758 = vector.shape_cast %swap3A_757 : vector<1x512x8xf32> to vector<512x8xf32>
    %swap3A_759 = vector.shape_cast %mul3A_753 : vector<512x8xf32> to vector<1x512x8xf32>
    tpu.vector_store %arg6[%swap3A_754, %swap3A_755, %swap3A_756], %swap3A_759 {strides = array<i32>} : memref<1x5120x8xf32, #tpu.memory_space<vmem>>, vector<1x512x8xf32>,
    %get3A_760 = arith.constant 0 : index
    %get3A_761 = arith.constant 2560 : index
    %get3A_762 = arith.constant 0 : index
    %get3A_763 = vector.load %arg3[%get3A_760, %get3A_761, %get3A_762] : memref<1x5120x1xi32, #tpu.memory_space<vmem>>, vector<1x512x1xi32>
    %get3A_764 = vector.shape_cast %get3A_763 : vector<1x512x1xi32> to vector<512x1xi32>
    %iota3A_765 = tpu.iota {dimensions = array<i32: 1>} : vector<512x5120xi32>
    %eq3A_766 = vector.broadcast %get3A_764 : vector<512x1xi32> to vector<512x5120xi32>
    %eq3A_767 = arith.cmpi eq, %eq3A_766, %iota3A_765 : vector<512x5120xi32>
    %convert_element_type3A_768 = arith.extui %eq3A_767 : vector<512x5120xi1> to vector<512x5120xi32>
    %convert_element_type3A_769 = arith.sitofp %convert_element_type3A_768 : vector<512x5120xi32> to vector<512x5120xf32>
    %mul3A_770 = vector.broadcast %get3A_590 : vector<1x5120xf32> to vector<512x5120xf32>
    %mul3A_771 = arith.mulf %convert_element_type3A_769, %mul3A_770 : vector<512x5120xf32>
    %reduce_sum3A_772 = arith.constant dense<0.000000e+00> : vector<512xf32>
    %reduce_sum3A_773 = vector.multi_reduction <add>, %mul3A_771, %reduce_sum3A_772 [1] : vector<512x5120xf32> to vector<512xf32>
    %broadcast_in_dim3A_774 = vector.shape_cast %reduce_sum3A_773 : vector<512xf32> to vector<512x1xf32>
    %swap3A_775 = arith.constant 0 : index
    %swap3A_776 = arith.constant 2560 : index
    %swap3A_777 = arith.constant 0 : index
    %swap3A_778 = vector.load %arg5[%swap3A_775, %swap3A_776, %swap3A_777] : memref<1x5120x1xf32, #tpu.memory_space<vmem>>, vector<1x512x1xf32>
    %swap3A_779 = vector.shape_cast %swap3A_778 : vector<1x512x1xf32> to vector<512x1xf32>
    %swap3A_780 = vector.shape_cast %broadcast_in_dim3A_774 : vector<512x1xf32> to vector<1x512x1xf32>
    tpu.vector_store %arg5[%swap3A_775, %swap3A_776, %swap3A_777], %swap3A_780 {strides = array<i32>} : memref<1x5120x1xf32, #tpu.memory_space<vmem>>, vector<1x512x1xf32>,
    %get3A_781 = arith.constant 0 : index
    %get3A_782 = arith.constant 2560 : index
    %get3A_783 = arith.constant 0 : index
    %get3A_784 = vector.load %arg4[%get3A_781, %get3A_782, %get3A_783] : memref<1x5120x8xf32, #tpu.memory_space<vmem>>, vector<1x512x8xf32>
    %get3A_785 = vector.shape_cast %get3A_784 : vector<1x512x8xf32> to vector<512x8xf32>
    %mul3A_786 = vector.broadcast %broadcast_in_dim3A_774 : vector<512x1xf32> to vector<512x8xf32>
    %mul3A_787 = arith.mulf %get3A_785, %mul3A_786 : vector<512x8xf32>
    %swap3A_788 = arith.constant 0 : index
    %swap3A_789 = arith.constant 2560 : index
    %swap3A_790 = arith.constant 0 : index
    %swap3A_791 = vector.load %arg6[%swap3A_788, %swap3A_789, %swap3A_790] : memref<1x5120x8xf32, #tpu.memory_space<vmem>>, vector<1x512x8xf32>
    %swap3A_792 = vector.shape_cast %swap3A_791 : vector<1x512x8xf32> to vector<512x8xf32>
    %swap3A_793 = vector.shape_cast %mul3A_787 : vector<512x8xf32> to vector<1x512x8xf32>
    tpu.vector_store %arg6[%swap3A_788, %swap3A_789, %swap3A_790], %swap3A_793 {strides = array<i32>} : memref<1x5120x8xf32, #tpu.memory_space<vmem>>, vector<1x512x8xf32>,
    %get3A_794 = arith.constant 0 : index
    %get3A_795 = arith.constant 3072 : index
    %get3A_796 = arith.constant 0 : index
    %get3A_797 = vector.load %arg3[%get3A_794, %get3A_795, %get3A_796] : memref<1x5120x1xi32, #tpu.memory_space<vmem>>, vector<1x512x1xi32>
    %get3A_798 = vector.shape_cast %get3A_797 : vector<1x512x1xi32> to vector<512x1xi32>
    %iota3A_799 = tpu.iota {dimensions = array<i32: 1>} : vector<512x5120xi32>
    %eq3A_800 = vector.broadcast %get3A_798 : vector<512x1xi32> to vector<512x5120xi32>
    %eq3A_801 = arith.cmpi eq, %eq3A_800, %iota3A_799 : vector<512x5120xi32>
    %convert_element_type3A_802 = arith.extui %eq3A_801 : vector<512x5120xi1> to vector<512x5120xi32>
    %convert_element_type3A_803 = arith.sitofp %convert_element_type3A_802 : vector<512x5120xi32> to vector<512x5120xf32>
    %mul3A_804 = vector.broadcast %get3A_590 : vector<1x5120xf32> to vector<512x5120xf32>
    %mul3A_805 = arith.mulf %convert_element_type3A_803, %mul3A_804 : vector<512x5120xf32>
    %reduce_sum3A_806 = arith.constant dense<0.000000e+00> : vector<512xf32>
    %reduce_sum3A_807 = vector.multi_reduction <add>, %mul3A_805, %reduce_sum3A_806 [1] : vector<512x5120xf32> to vector<512xf32>
    %broadcast_in_dim3A_808 = vector.shape_cast %reduce_sum3A_807 : vector<512xf32> to vector<512x1xf32>
    %swap3A_809 = arith.constant 0 : index
    %swap3A_810 = arith.constant 3072 : index
    %swap3A_811 = arith.constant 0 : index
    %swap3A_812 = vector.load %arg5[%swap3A_809, %swap3A_810, %swap3A_811] : memref<1x5120x1xf32, #tpu.memory_space<vmem>>, vector<1x512x1xf32>
    %swap3A_813 = vector.shape_cast %swap3A_812 : vector<1x512x1xf32> to vector<512x1xf32>
    %swap3A_814 = vector.shape_cast %broadcast_in_dim3A_808 : vector<512x1xf32> to vector<1x512x1xf32>
    tpu.vector_store %arg5[%swap3A_809, %swap3A_810, %swap3A_811], %swap3A_814 {strides = array<i32>} : memref<1x5120x1xf32, #tpu.memory_space<vmem>>, vector<1x512x1xf32>,
    %get3A_815 = arith.constant 0 : index
    %get3A_816 = arith.constant 3072 : index
    %get3A_817 = arith.constant 0 : index
    %get3A_818 = vector.load %arg4[%get3A_815, %get3A_816, %get3A_817] : memref<1x5120x8xf32, #tpu.memory_space<vmem>>, vector<1x512x8xf32>
    %get3A_819 = vector.shape_cast %get3A_818 : vector<1x512x8xf32> to vector<512x8xf32>
    %mul3A_820 = vector.broadcast %broadcast_in_dim3A_808 : vector<512x1xf32> to vector<512x8xf32>
    %mul3A_821 = arith.mulf %get3A_819, %mul3A_820 : vector<512x8xf32>
    %swap3A_822 = arith.constant 0 : index
    %swap3A_823 = arith.constant 3072 : index
    %swap3A_824 = arith.constant 0 : index
    %swap3A_825 = vector.load %arg6[%swap3A_822, %swap3A_823, %swap3A_824] : memref<1x5120x8xf32, #tpu.memory_space<vmem>>, vector<1x512x8xf32>
    %swap3A_826 = vector.shape_cast %swap3A_825 : vector<1x512x8xf32> to vector<512x8xf32>
    %swap3A_827 = vector.shape_cast %mul3A_821 : vector<512x8xf32> to vector<1x512x8xf32>
    tpu.vector_store %arg6[%swap3A_822, %swap3A_823, %swap3A_824], %swap3A_827 {strides = array<i32>} : memref<1x5120x8xf32, #tpu.memory_space<vmem>>, vector<1x512x8xf32>,
    %get3A_828 = arith.constant 0 : index
    %get3A_829 = arith.constant 3584 : index
    %get3A_830 = arith.constant 0 : index
    %get3A_831 = vector.load %arg3[%get3A_828, %get3A_829, %get3A_830] : memref<1x5120x1xi32, #tpu.memory_space<vmem>>, vector<1x512x1xi32>
    %get3A_832 = vector.shape_cast %get3A_831 : vector<1x512x1xi32> to vector<512x1xi32>
    %iota3A_833 = tpu.iota {dimensions = array<i32: 1>} : vector<512x5120xi32>
    %eq3A_834 = vector.broadcast %get3A_832 : vector<512x1xi32> to vector<512x5120xi32>
    %eq3A_835 = arith.cmpi eq, %eq3A_834, %iota3A_833 : vector<512x5120xi32>
    %convert_element_type3A_836 = arith.extui %eq3A_835 : vector<512x5120xi1> to vector<512x5120xi32>
    %convert_element_type3A_837 = arith.sitofp %convert_element_type3A_836 : vector<512x5120xi32> to vector<512x5120xf32>
    %mul3A_838 = vector.broadcast %get3A_590 : vector<1x5120xf32> to vector<512x5120xf32>
    %mul3A_839 = arith.mulf %convert_element_type3A_837, %mul3A_838 : vector<512x5120xf32>
    %reduce_sum3A_840 = arith.constant dense<0.000000e+00> : vector<512xf32>
    %reduce_sum3A_841 = vector.multi_reduction <add>, %mul3A_839, %reduce_sum3A_840 [1] : vector<512x5120xf32> to vector<512xf32>
    %broadcast_in_dim3A_842 = vector.shape_cast %reduce_sum3A_841 : vector<512xf32> to vector<512x1xf32>
    %swap3A_843 = arith.constant 0 : index
    %swap3A_844 = arith.constant 3584 : index
    %swap3A_845 = arith.constant 0 : index
    %swap3A_846 = vector.load %arg5[%swap3A_843, %swap3A_844, %swap3A_845] : memref<1x5120x1xf32, #tpu.memory_space<vmem>>, vector<1x512x1xf32>
    %swap3A_847 = vector.shape_cast %swap3A_846 : vector<1x512x1xf32> to vector<512x1xf32>
    %swap3A_848 = vector.shape_cast %broadcast_in_dim3A_842 : vector<512x1xf32> to vector<1x512x1xf32>
    tpu.vector_store %arg5[%swap3A_843, %swap3A_844, %swap3A_845], %swap3A_848 {strides = array<i32>} : memref<1x5120x1xf32, #tpu.memory_space<vmem>>, vector<1x512x1xf32>,
    %get3A_849 = arith.constant 0 : index
    %get3A_850 = arith.constant 3584 : index
    %get3A_851 = arith.constant 0 : index
    %get3A_852 = vector.load %arg4[%get3A_849, %get3A_850, %get3A_851] : memref<1x5120x8xf32, #tpu.memory_space<vmem>>, vector<1x512x8xf32>
    %get3A_853 = vector.shape_cast %get3A_852 : vector<1x512x8xf32> to vector<512x8xf32>
    %mul3A_854 = vector.broadcast %broadcast_in_dim3A_842 : vector<512x1xf32> to vector<512x8xf32>
    %mul3A_855 = arith.mulf %get3A_853, %mul3A_854 : vector<512x8xf32>
    %swap3A_856 = arith.constant 0 : index
    %swap3A_857 = arith.constant 3584 : index
    %swap3A_858 = arith.constant 0 : index
    %swap3A_859 = vector.load %arg6[%swap3A_856, %swap3A_857, %swap3A_858] : memref<1x5120x8xf32, #tpu.memory_space<vmem>>, vector<1x512x8xf32>
    %swap3A_860 = vector.shape_cast %swap3A_859 : vector<1x512x8xf32> to vector<512x8xf32>
    %swap3A_861 = vector.shape_cast %mul3A_855 : vector<512x8xf32> to vector<1x512x8xf32>
    tpu.vector_store %arg6[%swap3A_856, %swap3A_857, %swap3A_858], %swap3A_861 {strides = array<i32>} : memref<1x5120x8xf32, #tpu.memory_space<vmem>>, vector<1x512x8xf32>,
    %get3A_862 = arith.constant 0 : index
    %get3A_863 = arith.constant 4096 : index
    %get3A_864 = arith.constant 0 : index
    %get3A_865 = vector.load %arg3[%get3A_862, %get3A_863, %get3A_864] : memref<1x5120x1xi32, #tpu.memory_space<vmem>>, vector<1x512x1xi32>
    %get3A_866 = vector.shape_cast %get3A_865 : vector<1x512x1xi32> to vector<512x1xi32>
    %iota3A_867 = tpu.iota {dimensions = array<i32: 1>} : vector<512x5120xi32>
    %eq3A_868 = vector.broadcast %get3A_866 : vector<512x1xi32> to vector<512x5120xi32>
    %eq3A_869 = arith.cmpi eq, %eq3A_868, %iota3A_867 : vector<512x5120xi32>
    %convert_element_type3A_870 = arith.extui %eq3A_869 : vector<512x5120xi1> to vector<512x5120xi32>
    %convert_element_type3A_871 = arith.sitofp %convert_element_type3A_870 : vector<512x5120xi32> to vector<512x5120xf32>
    %mul3A_872 = vector.broadcast %get3A_590 : vector<1x5120xf32> to vector<512x5120xf32>
    %mul3A_873 = arith.mulf %convert_element_type3A_871, %mul3A_872 : vector<512x5120xf32>
    %reduce_sum3A_874 = arith.constant dense<0.000000e+00> : vector<512xf32>
    %reduce_sum3A_875 = vector.multi_reduction <add>, %mul3A_873, %reduce_sum3A_874 [1] : vector<512x5120xf32> to vector<512xf32>
    %broadcast_in_dim3A_876 = vector.shape_cast %reduce_sum3A_875 : vector<512xf32> to vector<512x1xf32>
    %swap3A_877 = arith.constant 0 : index
    %swap3A_878 = arith.constant 4096 : index
    %swap3A_879 = arith.constant 0 : index
    %swap3A_880 = vector.load %arg5[%swap3A_877, %swap3A_878, %swap3A_879] : memref<1x5120x1xf32, #tpu.memory_space<vmem>>, vector<1x512x1xf32>
    %swap3A_881 = vector.shape_cast %swap3A_880 : vector<1x512x1xf32> to vector<512x1xf32>
    %swap3A_882 = vector.shape_cast %broadcast_in_dim3A_876 : vector<512x1xf32> to vector<1x512x1xf32>
    tpu.vector_store %arg5[%swap3A_877, %swap3A_878, %swap3A_879], %swap3A_882 {strides = array<i32>} : memref<1x5120x1xf32, #tpu.memory_space<vmem>>, vector<1x512x1xf32>,
    %get3A_883 = arith.constant 0 : index
    %get3A_884 = arith.constant 4096 : index
    %get3A_885 = arith.constant 0 : index
    %get3A_886 = vector.load %arg4[%get3A_883, %get3A_884, %get3A_885] : memref<1x5120x8xf32, #tpu.memory_space<vmem>>, vector<1x512x8xf32>
    %get3A_887 = vector.shape_cast %get3A_886 : vector<1x512x8xf32> to vector<512x8xf32>
    %mul3A_888 = vector.broadcast %broadcast_in_dim3A_876 : vector<512x1xf32> to vector<512x8xf32>
    %mul3A_889 = arith.mulf %get3A_887, %mul3A_888 : vector<512x8xf32>
    %swap3A_890 = arith.constant 0 : index
    %swap3A_891 = arith.constant 4096 : index
    %swap3A_892 = arith.constant 0 : index
    %swap3A_893 = vector.load %arg6[%swap3A_890, %swap3A_891, %swap3A_892] : memref<1x5120x8xf32, #tpu.memory_space<vmem>>, vector<1x512x8xf32>
    %swap3A_894 = vector.shape_cast %swap3A_893 : vector<1x512x8xf32> to vector<512x8xf32>
    %swap3A_895 = vector.shape_cast %mul3A_889 : vector<512x8xf32> to vector<1x512x8xf32>
    tpu.vector_store %arg6[%swap3A_890, %swap3A_891, %swap3A_892], %swap3A_895 {strides = array<i32>} : memref<1x5120x8xf32, #tpu.memory_space<vmem>>, vector<1x512x8xf32>,
    %get3A_896 = arith.constant 0 : index
    %get3A_897 = arith.constant 4608 : index
    %get3A_898 = arith.constant 0 : index
    %get3A_899 = vector.load %arg3[%get3A_896, %get3A_897, %get3A_898] : memref<1x5120x1xi32, #tpu.memory_space<vmem>>, vector<1x512x1xi32>
    %get3A_900 = vector.shape_cast %get3A_899 : vector<1x512x1xi32> to vector<512x1xi32>
    %iota3A_901 = tpu.iota {dimensions = array<i32: 1>} : vector<512x5120xi32>
    %eq3A_902 = vector.broadcast %get3A_900 : vector<512x1xi32> to vector<512x5120xi32>
    %eq3A_903 = arith.cmpi eq, %eq3A_902, %iota3A_901 : vector<512x5120xi32>
    %convert_element_type3A_904 = arith.extui %eq3A_903 : vector<512x5120xi1> to vector<512x5120xi32>
    %convert_element_type3A_905 = arith.sitofp %convert_element_type3A_904 : vector<512x5120xi32> to vector<512x5120xf32>
    %mul3A_906 = vector.broadcast %get3A_590 : vector<1x5120xf32> to vector<512x5120xf32>
    %mul3A_907 = arith.mulf %convert_element_type3A_905, %mul3A_906 : vector<512x5120xf32>
    %reduce_sum3A_908 = arith.constant dense<0.000000e+00> : vector<512xf32>
    %reduce_sum3A_909 = vector.multi_reduction <add>, %mul3A_907, %reduce_sum3A_908 [1] : vector<512x5120xf32> to vector<512xf32>
    %broadcast_in_dim3A_910 = vector.shape_cast %reduce_sum3A_909 : vector<512xf32> to vector<512x1xf32>
    %swap3A_911 = arith.constant 0 : index
    %swap3A_912 = arith.constant 4608 : index
    %swap3A_913 = arith.constant 0 : index
    %swap3A_914 = vector.load %arg5[%swap3A_911, %swap3A_912, %swap3A_913] : memref<1x5120x1xf32, #tpu.memory_space<vmem>>, vector<1x512x1xf32>
    %swap3A_915 = vector.shape_cast %swap3A_914 : vector<1x512x1xf32> to vector<512x1xf32>
    %swap3A_916 = vector.shape_cast %broadcast_in_dim3A_910 : vector<512x1xf32> to vector<1x512x1xf32>
    tpu.vector_store %arg5[%swap3A_911, %swap3A_912, %swap3A_913], %swap3A_916 {strides = array<i32>} : memref<1x5120x1xf32, #tpu.memory_space<vmem>>, vector<1x512x1xf32>,
    %get3A_917 = arith.constant 0 : index
    %get3A_918 = arith.constant 4608 : index
    %get3A_919 = arith.constant 0 : index
    %get3A_920 = vector.load %arg4[%get3A_917, %get3A_918, %get3A_919] : memref<1x5120x8xf32, #tpu.memory_space<vmem>>, vector<1x512x8xf32>
    %get3A_921 = vector.shape_cast %get3A_920 : vector<1x512x8xf32> to vector<512x8xf32>
    %mul3A_922 = vector.broadcast %broadcast_in_dim3A_910 : vector<512x1xf32> to vector<512x8xf32>
    %mul3A_923 = arith.mulf %get3A_921, %mul3A_922 : vector<512x8xf32>
    %swap3A_924 = arith.constant 0 : index
    %swap3A_925 = arith.constant 4608 : index
    %swap3A_926 = arith.constant 0 : index
    %swap3A_927 = vector.load %arg6[%swap3A_924, %swap3A_925, %swap3A_926] : memref<1x5120x8xf32, #tpu.memory_space<vmem>>, vector<1x512x8xf32>
    %swap3A_928 = vector.shape_cast %swap3A_927 : vector<1x512x8xf32> to vector<512x8xf32>
    %swap3A_929 = vector.shape_cast %mul3A_923 : vector<512x8xf32> to vector<1x512x8xf32>
    tpu.vector_store %arg6[%swap3A_924, %swap3A_925, %swap3A_926], %swap3A_929 {strides = array<i32>} : memref<1x5120x8xf32, #tpu.memory_space<vmem>>, vector<1x512x8xf32>,
    return
  }
  func.func @transform_0(%arg0: i32) -> (i32, i32, i32) {
    %c0_i32 = arith.constant 0 : i32
    %c0_i32_0 = arith.constant 0 : i32
    %c0_i32_1 = arith.constant 0 : i32
    return %arg0, %c0_i32, %c0_i32_0 : i32, i32, i32
  }
  func.func @transform_1(%arg0: i32) -> (i32, i32, i32) {
    %c0_i32 = arith.constant 0 : i32
    %c0_i32_0 = arith.constant 0 : i32
    %c0_i32_1 = arith.constant 0 : i32
    return %arg0, %c0_i32, %c0_i32_0 : i32, i32, i32
  }
  func.func @transform_2(%arg0: i32) -> (i32, i32, i32) {
    %c0_i32 = arith.constant 0 : i32
    %c0_i32_0 = arith.constant 0 : i32
    %c0_i32_1 = arith.constant 0 : i32
    return %arg0, %c0_i32, %c0_i32_0 : i32, i32, i32
  }
  func.func @transform_3(%arg0: i32) -> (i32, i32, i32) {
    %c0_i32 = arith.constant 0 : i32
    %c0_i32_0 = arith.constant 0 : i32
    %c0_i32_1 = arith.constant 0 : i32
    return %arg0, %c0_i32, %c0_i32_0 : i32, i32, i32
  }
  func.func @transform_4(%arg0: i32) -> (i32, i32, i32) {
    %c0_i32 = arith.constant 0 : i32
    %c0_i32_0 = arith.constant 0 : i32
    %c0_i32_1 = arith.constant 0 : i32
    return %arg0, %c0_i32, %c0_i32_0 : i32, i32, i32
  }
  func.func @transform_5(%arg0: i32) -> (i32, i32, i32) {
    %c0_i32 = arith.constant 0 : i32
    %c0_i32_0 = arith.constant 0 : i32
    %c0_i32_1 = arith.constant 0 : i32
    return %arg0, %c0_i32, %c0_i32_0 : i32, i32, i32
  }
}

module attributes {stable_mosaic.version = 14 : i64} {
  func.func @_mask_body(%arg0: i32, %arg1: i32, %arg2: memref<1x1000x512xf32, #tpu.memory_space<vmem>>, %arg3: memref<1x1000x1xf32, #tpu.memory_space<vmem>>, %arg4: memref<1x1000x512xf32, #tpu.memory_space<vmem>>) attributes {dimension_semantics = [#tpu.dimension_semantics<arbitrary>, #tpu.dimension_semantics<arbitrary>], iteration_bounds = array<i64: 4, 5>, scalar_prefetch = 0 : i64, scratch_operands = 0 : i64, tpu.core_type = #tpu.core_type<tc>, window_params = [{transform_indices = @transform_0, window_bounds = array<i64: 1, 1000, 512>}, {transform_indices = @transform_1, window_bounds = array<i64: 1, 1000, 1>}, {transform_indices = @transform_2, window_bounds = array<i64: 1, 1000, 512>}]} {
    %get3A = arith.constant 0 : index
    %get3A_0 = arith.constant 0 : index
    %get3A_1 = arith.constant 0 : index
    %get3A_2 = vector.load %arg2[%get3A, %get3A_0, %get3A_1] : memref<1x1000x512xf32, #tpu.memory_space<vmem>>, vector<1x1000x512xf32>
    %get3A_3 = arith.constant 0 : index
    %get3A_4 = arith.constant 0 : index
    %get3A_5 = arith.constant 0 : index
    %get3A_6 = vector.load %arg3[%get3A_3, %get3A_4, %get3A_5] : memref<1x1000x1xf32, #tpu.memory_space<vmem>>, vector<1x1000x1xf32>
    %mul3A = vector.broadcast %get3A_6 : vector<1x1000x1xf32> to vector<1x1000x512xf32>
    %mul3A_7 = arith.mulf %get3A_2, %mul3A : vector<1x1000x512xf32>
    %swap3A = arith.constant 0 : index
    %swap3A_8 = arith.constant 0 : index
    %swap3A_9 = arith.constant 0 : index
    %swap3A_10 = vector.load %arg4[%swap3A, %swap3A_8, %swap3A_9] : memref<1x1000x512xf32, #tpu.memory_space<vmem>>, vector<1x1000x512xf32>
    tpu.vector_store %arg4[%swap3A, %swap3A_8, %swap3A_9], %mul3A_7 {strides = array<i32>} : memref<1x1000x512xf32, #tpu.memory_space<vmem>>, vector<1x1000x512xf32>,
    return
  }
  func.func @transform_0(%arg0: i32, %arg1: i32) -> (i32, i32, i32) {
    %c0_i32 = arith.constant 0 : i32
    %c0_i32_0 = arith.constant 0 : i32
    return %arg0, %arg1, %c0_i32 : i32, i32, i32
  }
  func.func @transform_1(%arg0: i32, %arg1: i32) -> (i32, i32, i32) {
    %c0_i32 = arith.constant 0 : i32
    %c0_i32_0 = arith.constant 0 : i32
    return %arg0, %arg1, %c0_i32 : i32, i32, i32
  }
  func.func @transform_2(%arg0: i32, %arg1: i32) -> (i32, i32, i32) {
    %c0_i32 = arith.constant 0 : i32
    %c0_i32_0 = arith.constant 0 : i32
    return %arg0, %arg1, %c0_i32 : i32, i32, i32
  }
}

</mosaic_0001>

<sc_bundles>
// kernel: gather_offload_async_start.1
scs
__scs_entry_jumppad:
0x0: {  	(pc) =	sbr.rel $0x88, $3  }
0x1: {  	(tag) =	ssettag $0x0;
	lr =	simm.s32 $0x1  }
0x2: {  	[smem:$0x3F9E] =	sst lr;
	_ =	strace $0xD0000000  }
0x3: {  	_ = 	snop  }
0x4: {  	_ = 	snop  }
0x5: {  	_ = 	snop  }
0x6: {  	_ = 	snop  }
0x7: {  	_ = 	snop  }
__scs_overlays_trampoline_lowered:
0x8: {  	[smem:$0x3FAD] =	sst s0  }
0x9: {  	[smem:$0x3FAE] =	sst s1  }
0xa: {  	[smem:$0x3FAF] =	sst s2  }
0xb: {  	[smem:$0x3FB0] =	sst s3  }
0xc: {  	[smem:$0x3FB1] =	sst s4  }
0xd: {  	[smem:$0x3FB2] =	sst s5  }
0xe: {  	[smem:$0x3FB3] =	sst s6  }
0xf: {  	[smem:$0x3FB4] =	sst s7  }
0x10: {  	[smem:$0x3FB5] =	sst s8  }
0x11: {  	[smem:$0x3FB6] =	sst s9;
	s0 =	simm.s32 @!p0 $0x0  }
0x12: {  	s1 =	sld [smem:$0x3F9C];
	s0 =	simm.s32 @p0 $0x1  }
0x13: {  	[smem:$0x3FB7] =	sst s0;
	s0 =	simm.s32 @!p1 $0x0  }
0x14: {  	s2 =	sld [smem:$0x3F9B];
	s0 =	simm.s32 @p1 $0x1  }
0x15: {  	[smem:$0x3FB8] =	sst s0;
	s0 =	simm.s32 @!p2 $0x0  }
0x16: {  	s3 =	sld [smem:$0x3FDB];
	s0 =	simm.s32 @p2 $0x1  }
0x17: {  	s4 =	simm.s32 $0x1BF5;
	[smem:$0x3FBA] =	sst s0  }
0x18: {  	s0 =	sld [smem:$0x3F9D];
	_ =	swait.ge [sflag:s4], $0x0  }
0x19: {  	s7 =	sld [smem:$0x3F9E]  }
0x1a: {  	s8 =	sadd.s32 $0xFFFFE003, lr  }
0x1b: {  	s9 =	sadd.s32 $0xFFFFFEF7, lr;
	s5 =	simm.s32 $0xFFFFFFFF;
	p2 =	slt.u32 s8, $0xFFFFF086  }
0x1c: {  	p1 =	slt.u32 s9, $0xF7A;
	s5 =	simm.s32 @!p2 $0x0  }
0x1d: {  	s5 =	simm.s32 @p1 $0x1;
	p0 =	seq.s32 s7, s2  }
0x1e: {  	s7 =	smul.u32 @!p0 $0xF7A, s2;
	p2 =	seq.s32 @!p0 s5, $0x0  }
0x1f: {  	s9 =	smul.u32 $0xF7A, s1;
	s8 =	simm.s32 @!p0 $0x1BF5;
	p2 =	por !p2, p0  }
0x20: {  	[sflag:s8] =	ssyncset.s32 @!p0 $0xFFFFF086;
	s6 =	sadd.s32 @!p0 s3, s7;
	s7 =	simm.s32 @!p0 $0x108  }
0x21: {  	s3 =	sadd.s32 s3, s9;
	s6 =	sadd.s32 @!p0 $0x88, s6;
	s7 =	simm.s32 @p2 $0x1082  }
0x22: {  	[simem:s7], [sflag:s8] =	dma.local @!p0 [hbm:s6], $0xF7A  }
0x23: {  	s9 =	sor.u32 $0xD0000000, s2;
	s6 =	simm.s32 $0x108;
	_ =	swait.ge @!p0 [sflag:s8], $0x0  }
0x24: {  	s3 =	sadd.s32 $0x88, s3;
	s6 =	simm.s32 @!p1 $0x1082;
	[sflag:s4] =	ssyncset.s32 $0xFFFFF086  }
0x25: {  	[simem:s6], [sflag:s4] =	dma.local [hbm:s3], $0xF7A  }
0x26: {  	[smem:$0x3F9E] =	sst s1;
	(tag) =	ssettag s2;
	_ =	strace s9  }
0x27: {  	s1 =	sld [smem:$0x3FAE]  }
0x28: {  	s2 =	sld [smem:$0x3FAF]  }
0x29: {  	s4 =	sld [smem:$0x3FB1]  }
0x2a: {  	p0 =	seq.s32 s5, $0x0;
	s5 =	sld [smem:$0x3FB2]  }
0x2b: {  	s6 =	sld [smem:$0x3FB3]  }
0x2c: {  	s7 =	sld [smem:$0x3FB4]  }
0x2d: {  	s3 =	simm.s32 $0x108;
	s8 =	sld [smem:$0x3FB5]  }
0x2e: {  	s3 =	simm.s32 @!p0 $0x1082;
	s9 =	sld [smem:$0x3FB6]  }
0x2f: {  	lr =	sadd.s32 s0, s3;
	s0 =	sld [smem:$0x3FAD]  }
0x30: {  	s3 =	sld [smem:$0x3FB0]  }
0x31: {  	[smem:$0x3FB9] =	sst s10  }
0x32: {  	s10 =	sld [smem:$0x3FB7];
	_ =	sdelay $0x3  }
0x33: {  	p0 =	seq.s32 s10, $0x1;
	s10 =	sld [smem:$0x3FB9];
	_ =	sdelay $0x3  }
0x34: {  	[smem:$0x3FB9] =	sst s10  }
0x35: {  	s10 =	sld [smem:$0x3FB8];
	_ =	sdelay $0x3  }
0x36: {  	p1 =	seq.s32 s10, $0x1;
	s10 =	sld [smem:$0x3FB9];
	_ =	sdelay $0x3  }
0x37: {  	[smem:$0x3FB9] =	sst s10  }
0x38: {  	s10 =	sld [smem:$0x3FBA]  }
0x39: {  	_ = 	snop;
	(pc) =	sbr.ind lr, $3  }
0x3a: {  	_ = 	snop  }
0x3b: {  	_ = 	snop  }
0x3c: {  	p2 =	seq.s32 s10, $0x1;
	s10 =	sld [smem:$0x3FB9]  }
0x3d: {  	_ =	shalt  }
0x3e: {  	_ =	shalt  }
0x3f: {  	_ =	shalt  }
0x40: {  	_ =	shalt  }
0x41: {  	_ =	shalt  }
0x42: {  	_ =	shalt  }
0x43: {  	_ =	shalt  }
0x44: {  	_ =	shalt  }
0x45: {  	_ =	shalt  }
0x46: {  	_ =	shalt  }
0x47: {  	_ =	shalt  }
0x48: {  	_ =	shalt  }
0x49: {  	_ =	shalt  }
0x4a: {  	_ =	shalt  }
0x4b: {  	_ =	shalt  }
0x4c: {  	_ =	shalt  }
0x4d: {  	_ =	shalt  }
0x4e: {  	_ =	shalt  }
0x4f: {  	_ =	shalt  }
0x50: {  	_ =	shalt  }
0x51: {  	_ =	shalt  }
0x52: {  	_ =	shalt  }
0x53: {  	_ =	shalt  }
0x54: {  	_ =	shalt  }
0x55: {  	_ =	shalt  }
0x56: {  	_ =	shalt  }
0x57: {  	_ =	shalt  }
0x58: {  	_ =	shalt  }
0x59: {  	_ =	shalt  }
0x5a: {  	_ =	shalt  }
0x5b: {  	_ =	shalt  }
0x5c: {  	_ =	shalt  }
0x5d: {  	_ =	shalt  }
0x5e: {  	_ =	shalt  }
0x5f: {  	_ =	shalt  }
0x60: {  	_ =	shalt  }
0x61: {  	_ =	shalt  }
0x62: {  	_ =	shalt  }
0x63: {  	_ =	shalt  }
0x64: {  	_ =	shalt  }
0x65: {  	_ =	shalt  }
0x66: {  	_ =	shalt  }
0x67: {  	_ =	shalt  }
0x68: {  	_ =	shalt  }
0x69: {  	_ =	shalt  }
0x6a: {  	_ =	shalt  }
0x6b: {  	_ =	shalt  }
0x6c: {  	_ =	shalt  }
0x6d: {  	_ =	shalt  }
0x6e: {  	_ =	shalt  }
0x6f: {  	_ =	shalt  }
0x70: {  	_ =	shalt  }
0x71: {  	_ =	shalt  }
0x72: {  	_ =	shalt  }
0x73: {  	_ =	shalt  }
0x74: {  	_ =	shalt  }
0x75: {  	_ =	shalt  }
0x76: {  	_ =	shalt  }
0x77: {  	_ =	shalt  }
0x78: {  	_ =	shalt  }
0x79: {  	_ =	shalt  }
0x7a: {  	_ =	shalt  }
0x7b: {  	_ =	shalt  }
0x7c: {  	_ =	shalt  }
0x7d: {  	_ =	shalt  }
0x7e: {  	_ =	shalt  }
0x7f: {  	_ =	shalt  }
0x80: {  	_ =	shalt  }
0x81: {  	_ =	shalt  }
0x82: {  	_ =	shalt  }
0x83: {  	_ =	shalt  }
0x84: {  	_ =	shalt  }
0x85: {  	_ =	shalt  }
0x86: {  	_ =	shalt  }
0x87: {  	_ =	shalt  }
.Lfunc_end0:
.L_simem_size_0:
called_computation.1_lowered:
.L_overlay_start_0:
0x88: {  	s2 =	sld [smem:$0x3FD9]  }
0x89: {  	s3 =	sld [smem:$0x3FFE];
	_ =	sdelay $0x1  }
0x8a: {  	s1 =	srdreg.scid  }
0x8b: {  	s0 =	sand.u32 $0x1, s1  }
0x8c: {  	s14 =	sshll.u32 s0, $0xA;
	s2 =	sadd.s32 s3, s2  }
0x8d: {  	s2 =	sadd.s32 s2, s14  }
0x8e: {  	[smem:$0x3FC5] =	sst s2  }
0x8f: {  	_ = 	snop  }
0x90: {  	s2 =	sld [smem:$0x3FD0];
	_ =	sdelay $0x2  }
0x91: {  	s15 =	simm.s32 $0xA;
	s4 =	simm.s32 $0x10  }
0x92: {  	[smem:s4], [sflag:s15] =	dma.local [hbm:s2], $0x1  }
0x93: {  	_ =	swait.eq [sflag:s15], $0x1  }
0x94: {  	[sflag:s15] =	ssyncset.done $0x0  }
0x95: {  	s16 =	sld [smem:$0x10];
	[sflag:s15] =	ssyncadd.s32 $0xFFFFFFFF  }
0x96: {  	s17 =	sld [smem:$0x12];
	(tm) =	ssettm $0x1  }
0x97: {  	s18 =	sld [smem:$0x3FFB];
	_ =	sdelay $0x3  }
0x98: {  	_ =	strace s18  }
0x99: {  	s4 =	sld [smem:$0x3FFC];
	_ =	sdelay $0x3  }
0x9a: {  	_ =	strace s4  }
0x9b: {  	s4 =	sld [smem:$0x3FFD];
	_ =	sdelay $0x3  }
0x9c: {  	_ =	strace s4  }
0x9d: {  	_ =	strace $0x8FFFFFFF  }
0x9e: {  	s19 =	sld [smem:$0x3FDB];
	_ =	sdelay $0x1  }
0x9f: {  	s5 =	simm.s32 $_scs_section_size  }
0xa0: {  	s6 =	simm.s32 $_size__tile_overlayer_lowered;
	s7 =	simm.s32 $_tile_overlayer_lowered  }
0xa1: {  	s22 =	simm.s32 $0x1BFF;
	s21 =	sshll.u32 s7, $0x1;
	s4 =	sadd.s32 s5, s19  }
0xa2: {  	s8 =	simm.s32 $0x0;
	s20 =	sshll.u32 s6, $0x1;
	s6 =	sadd.s32 s21, s4  }
0xa3: {  	[timem:s8], [sflag:s22] =	dma.local [hbm:s6], s20  }
0xa4: {  	_ =	swait.ge [sflag:s22], s20  }
0xa5: {  	s5 =	ssub.s32 $0x0, s20;
	[sflag:s22] =	ssyncset.done $0x0  }
0xa6: {  	[sflag:s22] =	ssyncadd.s32 s5;
	_ =	sdelay $0x1  }
0xa7: {  	s23 =	simm.s32 $0x1B8B  }
0xa8: {  	_ =	swait.ge [sflag:s23], $0x1  }
0xa9: {  	[sflag:s23] =	ssyncset.done $0x0  }
0xaa: {  	s25 =	simm.s32 $0x1B8E;
	s24 =	sld [smem:$0x3FFE];
	[sflag:s23] =	ssyncadd.s32 $0xFFFFFFFF  }
0xab: {  	s26 =	simm.s32 $execute0_lowered;
	[smem:$0x3FD2] =	sst s25  }
0xac: {  	s6 =	sshll.u32 s26, $0x1;
	_ =	strace $0x80000046;
	[dreg:$0x1] =	wrdreg $0xFFFFFFFF  }
0xad: {  	s28 =	simm.s32 $_size_execute0_lowered;
	s4 =	sadd.s32 s4, s6;
	[dreg:$0x0] =	wrdreg $0x0  }
0xae: {  	s6 =	sshll.u32 s28, $0x1;
	[dreg:$0x2] =	wrdreg s4  }
0xaf: {  	[dreg:$0x3] =	wrdreg s6  }
0xb0: {  	[dreg:$0x4] =	wrdreg $0xC0  }
0xb1: {  	_ =	task [dreg:s8], $0x5FFFF  }
0xb2: {  	[dreg:$0x1] =	wrdreg $0xFFFFFFFF  }
0xb3: {  	[dreg:$0x0] =	wrdreg $0x60  }
0xb4: {  	[dreg:$0x2] =	wrdreg s17  }
0xb5: {  	[dreg:$0x3] =	wrdreg s16  }
0xb6: {  	[dreg:$0x4] =	wrdreg s24  }
0xb7: {  	[dreg:$0x5] =	wrdreg $0x9  }
0xb8: {  	_ =	task.clear_ibuf [dreg:s8], $0x6FFFF;
	_ =	strace $0x90000046  }
0xb9: {  	s29 =	simm.s32 $0x9;
	_ =	strace $0x80000048  }
0xba: {  	_ =	swait.ge [sflag:s29], $0x1  }
0xbb: {  	[sflag:s29] =	ssyncadd.s32 $0xFFFFFFFF  }
0xbc: {  	_ =	strace $0x90000048  }
0xbd: {  	_ =	sfence  }
0xbe: {  	s30 =	sld [smem:$0x0];
	_ =	sdelay $0x2  }
0xbf: {  	s31 =	sshll.u32 s1, $0xD;
	s1 =	sshrl.u32 s1, $0x2  }
0xc0: {  	s3 =	sand.u32 $0x4000, s31;
	s1 =	sadd.s32 s1, s30  }
0xc1: {  	s0 =	sor.u32 s3, s0;
	s1 =	sshll.u32 s1, $0x11  }
0xc2: {  	s0 =	sor.u32 s1, s0  }
0xc3: {  	s0 =	sadd.s32 $0x8F2B, s0  }
0xc4: {  	[sflag:s0] =	ssyncadd.remote.s32 $0x1  }
0xc5: {  	_ =	sfence.sel $0xFFFF  }
0xc6: {  	[dreg:$0x0] =	wrdreg $0xFFFFFFFF;
	(pc) =	sbr.abs _section_cstart, $3  }
0xc7: {  	[dreg:$0x1] =	wrdreg $0xFFFFFFFF  }
0xc8: {  	_ =	task.clear_ibuf [dreg:s8], $0x2FFFF;
	_ =	strace $0x9FFFFFFF  }
0xc9: {  	(tm) =	ssettm $0x7FFFFFFF  }
tec
execute0_lowered:
.L_overlay_start_1:
0x0: {  	(tag) =	ssettag $0x1  }
0x1: {  	s2 =	rddreg [dreg:$0x0]  }
0x2: {  	s3 =	rddreg [dreg:$0x1]  }
0x3: {  	s8 =	rddreg [dreg:$0x2];
	s1 =	stileid.u32  }
0x4: {  	s4 =	srdreg.scid;
	s0 =	rddreg [dreg:$0x3];
	_ =	strace $0x80000047  }
0x5: {  	s7 =	simm.s32 $0x1;
	s9 =	simm.s32 $0x1;
	s10 =	simm.s32 $0x3  }
0x6: {  	s13 =	simm.s32 $0x0;
	s5 =	sand.u32 $0x1, s4;
	s6 =	sshll.u32 s1, $0x1  }
0x7: {  	s12 =	simm.s32 $0x0;
	s4 =	simm.s32 $0x1;
	s5 =	sor.u32 s6, s5  }
.Ltmp0:
0x8: {  	[sflag:s4] =	ssyncpa.u1 $0x0;
	p0 =	slt.u32 s5, $0x13;
	(pc) =	sbr.rel .LBB2_1-.Ltmp0, $4  }
0x9: {  	s6 =	simm.s32 $0x2;
	s7 =	simm.s32 @!p0 $0x0;
	p0 =	sne.s32 s5, $0x12  }
0xa: {  	[sflag:s6] =	ssyncpa.u1 $0x0;
	s5 =	smul.u32 $0x190, s5;
	s9 =	simm.s32 @!p0 $0x0  }
0xb: {  	s8 =	sadd.s32 $0x50000, s8;
	[sflag:s10] =	ssyncpa.u1 $0x0;
	s7 =	sadd.s32 s9, s7  }
0xc: {  	vm0 =	vmmov $0xffff;
	s10 =	simm.s32 $0x0;
	s11 =	smov.u32 s5;
	s9 =	sadd.s32 $0x1, s7  }
.LBB2_4:
0xd: {  	vm1 =	veq.s32 v4, $0x80000000;
	v56 =	vand.u32 $0x3, v4;
	v6 =	vand.u32 $0x1FFF, v6  }
0xe: {  	v2 =	vor.u32 v2, v5;
	v59 =	vshrl.u32 v1, $0x2;
	v60 =	vand.u32 $0x3, v1  }
0xf: {  	v4 =	vsel vm1, $0xFFFFFFFF, v56;
	v6 =	vsel vm1, $0xFFFFFFFF, v6;
	v2 =	vor.u32 v3, v2  }
0x10: {  	vm1 =	veq.s32 v1, $0x80000000;
	v5 =	vand.u32 $0x1FFF, v59;
	v7 =	vshrl.u32 v4, $0x2  }
0x11: {  	v57 =	vshll.u32 v6, $0x2;
	v4 =	vshll.u32 v4, $0x7;
	v1 =	vsel vm1, $0xFFFFFFFF, v60  }
0x12: {  	v5 =	vsel vm1, $0xFFFFFFFF, v5;
	v6 =	vand.u32 $0x7F, v6;
	v7 =	vmul.u32 $0x5000, v7  }
0x13: {  	v58 =	vand.u32 $0xFFFFFE00, v57;
	v4 =	vand.u32 $0x180, v4;
	v61 =	vshrl.u32 v1, $0x2  }
0x14: {  	v62 =	vshll.u32 v5, $0x2;
	v3 =	vadd.s32 v7, v58;
	v7 =	vmul.u32 $0x5000, v61  }
0x15: {  	v1 =	vshll.u32 v1, $0x7;
	v3 =	vor.u32 v4, v3;
	v4 =	vand.u32 $0xFFFFFE00, v62  }
0x16: {  	v1 =	vand.u32 $0x180, v1;
	v3 =	vor.u32 v6, v3;
	v4 =	vadd.s32 v7, v4  }
0x17: {  	[tilespmem:s16], [sflag:$0x1] =	stream.indirect_vreg.gather [hbm4b:s2+s10], $0x1, v0, vm0, $0x4038;
	v63 =	vand.u32 $0x7F, v5;
	v1 =	vor.u32 v1, v4;
	[tilespmem:$0x640] =	vst v63  }
0x18: {  	s15 =	sadd.s32 $0x10, s15;
	(ifvalue) =	ssetifvalue $0x7FFFFFFF;
	v0 =	vor.u32 v63, v1  }
0x19: {  	[tilespmem:s15], [sflag:$0x1] =	stream.indirect_vreg.gather [hbm4b:s2+s10], $0x1, v2, vm0, $0x4038;
	[tilespmem:$0x640] =	vst v63  }
0x1a: {  	s15 =	sadd.s32 $0x10, s15;
	(ifvalue) =	ssetifvalue $0x7FFFFFFF  }
0x1b: {  	[tilespmem:s15], [sflag:$0x1] =	stream.indirect_vreg.gather [hbm4b:s2+s10], $0x1, v3, vm0, $0x4038;
	[tilespmem:$0x640] =	vst v63  }
0x1c: {  	s15 =	sadd.s32 $0x10, s15;
	(ifvalue) =	ssetifvalue $0x7FFFFFFF  }
0x1d: {  	[tilespmem:s15], [sflag:$0x1] =	stream.indirect_vreg.gather [hbm4b:s2+s10], $0x1, v0, vm0, $0x4038;
	[tilespmem:$0x640] =	vst v63  }
0x1e: {  	_ =	swait.ge [sflag:s4], $0x190  }
0x1f: {  	s30 =	sshrl.u32 s13, $0x3;
	[sflag:s4] =	ssyncset.done $0x0  }
0x20: {  	s31 =	sand.u32 $0x7, s13;
	s15 =	sadd.s32 s8, s30;
	[sflag:s4] =	ssyncadd.s32 $0xFFFFFE70  }
0x21: {  	[hbm4b:s15+s31] =	stream.linear.scatter [tilespmem:s14], [sflag:$0x3], $0x190, $0x38;
	[tilespmem:$0x640] =	vst v63  }
.LBB2_5:
0x22: {  	s15 =	sadd.s32 $0x3200, s11  }
0x23: {  	p1 =	sgt.s32 s15, $0x4E1F  }
0x24: {  	s15 =	smov.u32 @p1 s5;
	p1 =	sne.s32 s12, s9  }
.Ltmp1:
0x25: {  	p0 =	slt.u32 s12, $0x2;
	(pc) =	sbr.rel @!p1 .LBB2_6-.Ltmp1, $4  }
0x26: {  	s14 =	simm.s32 @!p0 $0x3  }
0x27: {  	_ =	swait.ge @!p0 [sflag:s14], $0x190  }
0x28: {  	s16 =	sadd.s32 $0x1, s12;
	s13 =	smov.u32 s11;
	[sflag:s14] =	ssyncset.done @!p0 $0x0  }
0x29: {  	s12 =	smov.u32 s16;
	s11 =	smov.u32 s15;
	[sflag:s14] =	ssyncadd.s32 @!p0 $0xFFFFFE70  }
.LBB2_1:
0x2a: {  	p0 =	sge.u32 s12, s7  }
0x2b: {  	s14 =	sxor.u32 @!p0 $0x1, s12  }
0x2c: {  	s14 =	smul.u32 @!p0 $0x640, s14  }
0x2d: {  	s31 =	sadd.s32 $0xFFFFFFFF, s12;
	s15 =	sshrl.u32 @!p0 s11, $0x3  }
0x2e: {  	s16 =	sand.u32 @!p0 $0x7, s11;
	s15 =	sadd.s32 @!p0 s3, s15;
	s14 =	sshra.s32 @!p0 s14, $0x2  }
0x2f: {  	[tilespmem:s14], [sflag:$0x2] =	stream.linear.gather @!p0 [hbm4b:s15+s16], $0x190, $0x38;
	[tilespmem:$0x640] =	vst v63  }
0x30: {  	p0 =	sge.u32 s31, s7  }
.Ltmp2:
0x31: {  	_ = 	snop;
	(pc) =	sbr.rel @p0 .LBB2_5-.Ltmp2, $1  }
0x32: {  	_ =	sdelay $0x3  }
0x33: {  	s14 =	sand.u32 $0x1, s12  }
0x34: {  	_ =	swait.ge [sflag:s6], $0x190;
	p0 =	seq.s32 s14, $0x1;
	s14 =	simm.s32 $0x190  }
0x35: {  	[sflag:s6] =	ssyncset.done $0x0;
	s14 =	simm.s32 @!p0 $0x0  }
0x36: {  	[sflag:s6] =	ssyncadd.s32 $0xFFFFFE70;
	(ifvalue) =	ssetifvalue $0x7FFFFFFF;
	v0 =	vld.msk [tilespmem:s14+$0x0 ss:$0x1], $0xffff  }
0x37: {  	s15 =	sadd.s32 $0x10, s14  }
0x38: {  	v1 =	vld.msk [tilespmem:s15+$0x0 ss:$0x1], $0xffff;
	_ =	sdelay $0x2  }
0x39: {  	v2 =	vshrl.u32 v0, $0x2  }
0x3a: {  	vm1 =	veq.s32 v0, $0x80000000;
	v0 =	vand.u32 $0x3, v0;
	v2 =	vand.u32 $0x1FFF, v2  }
0x3b: {  	v0 =	vsel vm1, $0xFFFFFFFF, v0;
	v6 =	vshrl.u32 v1, $0x2;
	v2 =	vsel vm1, $0xFFFFFFFF, v2  }
0x3c: {  	v3 =	vshrl.u32 v0, $0x2;
	v0 =	vshll.u32 v0, $0x7;
	vm1 =	veq.s32 v1, $0x80000000  }
0x3d: {  	s15 =	sadd.s32 $0x10, s15;
	v1 =	vand.u32 $0x3, v1;
	v4 =	vshll.u32 v2, $0x2;
	v3 =	vmul.u32 $0x5000, v3  }
0x3e: {  	v0 =	vand.u32 $0x180, v0;
	v7 =	vand.u32 $0x7F, v2;
	v5 =	vand.u32 $0xFFFFFE00, v4;
	v4 =	vld.msk [tilespmem:s15+$0x0 ss:$0x1], $0xffff  }
0x3f: {  	v1 =	vsel vm1, $0xFFFFFFFF, v1;
	v2 =	vadd.s32 v3, v5;
	v3 =	vand.u32 $0x1FFF, v6  }
0x40: {  	v3 =	vsel vm1, $0xFFFFFFFF, v3;
	v0 =	vor.u32 v0, v2;
	v2 =	vshrl.u32 v1, $0x2  }
0x41: {  	v1 =	vshll.u32 v1, $0x7;
	v5 =	vshll.u32 v3, $0x2;
	v8 =	vmul.u32 $0x5000, v2  }
0x42: {  	s18 =	simm.s32 $0x30;
	s14 =	sadd.s32 $0x320, s14;
	s17 =	sadd.s32 $0x10, s15;
	v2 =	vand.u32 $0x180, v1;
	v0 =	vor.u32 v7, v0;
	v5 =	vand.u32 $0xFFFFFE00, v5  }
0x43: {  	s16 =	smov.u32 s14;
	s15 =	smov.u32 s14;
	v1 =	vld.msk [tilespmem:s17+$0x0 ss:$0x1], $0xffff;
	v3 =	vand.u32 $0x7F, v3;
	(ifvalue) =	ssetifvalue $0x7FFFFFFF;
	v6 =	vshrl.u32 v4, $0x2;
	v5 =	vadd.s32 v8, v5  }
.LBB2_3:
0x44: {  	s18 =	sadd.s32 $0x10, s18  }
0x45: {  	vm1 =	veq.s32 v4, $0x80000000;
	v4 =	vand.u32 $0x3, v4;
	v6 =	vand.u32 $0x1FFF, v6;
	s15 =	sadd.s32 $0x10, s15;
	p0 =	slt.u32 s18, $0x180  }
.Ltmp3:
0x46: {  	v5 =	vor.u32 v2, v5;
	v4 =	vsel vm1, $0xFFFFFFFF, v4;
	v7 =	vsel vm1, $0xFFFFFFFF, v6;
	(pc) =	sbr.rel @p0 .LBB2_3-.Ltmp3, $4  }
0x47: {  	v2 =	vshrl.u32 v4, $0x2;
	v6 =	vshll.u32 v7, $0x2;
	v4 =	vshll.u32 v4, $0x7;
	[tilespmem:s16], [sflag:$0x1] =	stream.indirect_vreg.gather [hbm4b:s2+s10], $0x1, v0, vm0, $0x4038;
	[tilespmem:$0x640] =	vst v63  }
0x48: {  	v0 =	vor.u32 v3, v5;
	s16 =	smov.u32 s15;
	v8 =	vmul.u32 $0x5000, v2;
	v2 =	vand.u32 $0x180, v4  }
0x49: {  	s17 =	sadd.s32 $0x10, s17;
	v9 =	vand.u32 $0xFFFFFE00, v6  }
0x4a: {  	v3 =	vand.u32 $0x7F, v7;
	v6 =	vshrl.u32 v1, $0x2;
	v5 =	vadd.s32 v8, v9;
	(ifvalue) =	ssetifvalue $0x7FFFFFFF;
	v4 =	vmovc v1;
	v1 =	vld.msk [tilespmem:s17+$0x0 ss:$0x1], $0xffff  }
.Ltmp4:
0x4b: {  	_ = 	snop;
	(pc) =	sbr.rel .LBB2_4-.Ltmp4, $1  }
0x4c: {  	_ =	sdelay $0x3  }
.LBB2_6:
0x4d: {  	_ =	sfence.sel $0x180000  }
0x4e: {  	s2 =	simm.s32 $0x2;
	[bflag:$0x0] =	sbarrier.arrive $0xFFFF  }
0x4f: {  	s30 =	simm.s32 $0x3;
	[sflag:s2] =	ssyncpa.u1 $0x1  }
0x50: {  	s31 =	simm.s32 $0x1;
	[sflag:s30] =	ssyncpa.u1 $0x1  }
0x51: {  	[sflag:s31] =	ssyncpa.u1 $0x1  }
0x52: {  	p0 =	sne.s32 s1, $0x0;
	_ =	strace $0x90000047  }
0x53: {  	s0 =	sadd.s32 @!p0 $0x100000, s0;
	[bflag:$0x2] =	sbarrier.arrive $0xFFFF  }
0x54: {  	[sflag:s0] =	ssyncadd.tile.s32 @!p0 $0x1;
	_ =	shalt  }
.Lfunc_end2:
_tile_overlayer_lowered:
.L_overlay_start_2:
0x55: {  	(tag) =	ssettag $0x2  }
0x56: {  	s0 =	rddreg [dreg:$0x0];
	s2 =	stileid.u32  }
0x57: {  	s1 =	rddreg [dreg:$0x1];
	p0 =	sne.s32 s2, $0x0  }
0x58: {  	s3 =	rddreg [dreg:$0x2];
	[bflag:$0x3] =	sbarrier.arrive $0xFFFF;
	s2 =	simm.s32 @!p0 $0x1C01  }
0x59: {  	[timem:s3], [sflag:s2] =	dma.local @!p0 [hbm:s0], s1  }
0x5a: {  	s0 =	simm.s32 @!p0 $0x1  }
0x5b: {  	_ =	swait.ge @!p0 [sflag:s0], s1  }
0x5c: {  	s1 =	ssub.s32 @!p0 $0x0, s1;
	[sflag:s0] =	ssyncset.done @!p0 $0x0  }
0x5d: {  	[sflag:s0] =	ssyncadd.s32 @!p0 s1  }
0x5e: {  	[bflag:$0x3] =	sbarrier.arrive $0xFFFF  }
0x5f: {  	_ =	shalt  }

// kernel: gather_offload_async_start
scs
__scs_entry_jumppad:
0x0: {  	(pc) =	sbr.rel $0x88, $3  }
0x1: {  	(tag) =	ssettag $0x0;
	lr =	simm.s32 $0x1  }
0x2: {  	[smem:$0x3F9E] =	sst lr;
	_ =	strace $0xD0000000  }
0x3: {  	_ = 	snop  }
0x4: {  	_ = 	snop  }
0x5: {  	_ = 	snop  }
0x6: {  	_ = 	snop  }
0x7: {  	_ = 	snop  }
__scs_overlays_trampoline_lowered:
0x8: {  	[smem:$0x3FAD] =	sst s0  }
0x9: {  	[smem:$0x3FAE] =	sst s1  }
0xa: {  	[smem:$0x3FAF] =	sst s2  }
0xb: {  	[smem:$0x3FB0] =	sst s3  }
0xc: {  	[smem:$0x3FB1] =	sst s4  }
0xd: {  	[smem:$0x3FB2] =	sst s5  }
0xe: {  	[smem:$0x3FB3] =	sst s6  }
0xf: {  	[smem:$0x3FB4] =	sst s7  }
0x10: {  	[smem:$0x3FB5] =	sst s8  }
0x11: {  	[smem:$0x3FB6] =	sst s9;
	s0 =	simm.s32 @!p0 $0x0  }
0x12: {  	s1 =	sld [smem:$0x3F9C];
	s0 =	simm.s32 @p0 $0x1  }
0x13: {  	[smem:$0x3FB7] =	sst s0;
	s0 =	simm.s32 @!p1 $0x0  }
0x14: {  	s2 =	sld [smem:$0x3F9B];
	s0 =	simm.s32 @p1 $0x1  }
0x15: {  	[smem:$0x3FB8] =	sst s0;
	s0 =	simm.s32 @!p2 $0x0  }
0x16: {  	s3 =	sld [smem:$0x3FDB];
	s0 =	simm.s32 @p2 $0x1  }
0x17: {  	s4 =	simm.s32 $0x1BF5;
	[smem:$0x3FBA] =	sst s0  }
0x18: {  	s0 =	sld [smem:$0x3F9D];
	_ =	swait.ge [sflag:s4], $0x0  }
0x19: {  	s7 =	sld [smem:$0x3F9E]  }
0x1a: {  	s8 =	sadd.s32 $0xFFFFE003, lr  }
0x1b: {  	s9 =	sadd.s32 $0xFFFFFEF7, lr;
	s5 =	simm.s32 $0xFFFFFFFF;
	p2 =	slt.u32 s8, $0xFFFFF086  }
0x1c: {  	p1 =	slt.u32 s9, $0xF7A;
	s5 =	simm.s32 @!p2 $0x0  }
0x1d: {  	s5 =	simm.s32 @p1 $0x1;
	p0 =	seq.s32 s7, s2  }
0x1e: {  	s7 =	smul.u32 @!p0 $0xF7A, s2;
	p2 =	seq.s32 @!p0 s5, $0x0  }
0x1f: {  	s9 =	smul.u32 $0xF7A, s1;
	s8 =	simm.s32 @!p0 $0x1BF5;
	p2 =	por !p2, p0  }
0x20: {  	[sflag:s8] =	ssyncset.s32 @!p0 $0xFFFFF086;
	s6 =	sadd.s32 @!p0 s3, s7;
	s7 =	simm.s32 @!p0 $0x108  }
0x21: {  	s3 =	sadd.s32 s3, s9;
	s6 =	sadd.s32 @!p0 $0x88, s6;
	s7 =	simm.s32 @p2 $0x1082  }
0x22: {  	[simem:s7], [sflag:s8] =	dma.local @!p0 [hbm:s6], $0xF7A  }
0x23: {  	s9 =	sor.u32 $0xD0000000, s2;
	s6 =	simm.s32 $0x108;
	_ =	swait.ge @!p0 [sflag:s8], $0x0  }
0x24: {  	s3 =	sadd.s32 $0x88, s3;
	s6 =	simm.s32 @!p1 $0x1082;
	[sflag:s4] =	ssyncset.s32 $0xFFFFF086  }
0x25: {  	[simem:s6], [sflag:s4] =	dma.local [hbm:s3], $0xF7A  }
0x26: {  	[smem:$0x3F9E] =	sst s1;
	(tag) =	ssettag s2;
	_ =	strace s9  }
0x27: {  	s1 =	sld [smem:$0x3FAE]  }
0x28: {  	s2 =	sld [smem:$0x3FAF]  }
0x29: {  	s4 =	sld [smem:$0x3FB1]  }
0x2a: {  	p0 =	seq.s32 s5, $0x0;
	s5 =	sld [smem:$0x3FB2]  }
0x2b: {  	s6 =	sld [smem:$0x3FB3]  }
0x2c: {  	s7 =	sld [smem:$0x3FB4]  }
0x2d: {  	s3 =	simm.s32 $0x108;
	s8 =	sld [smem:$0x3FB5]  }
0x2e: {  	s3 =	simm.s32 @!p0 $0x1082;
	s9 =	sld [smem:$0x3FB6]  }
0x2f: {  	lr =	sadd.s32 s0, s3;
	s0 =	sld [smem:$0x3FAD]  }
0x30: {  	s3 =	sld [smem:$0x3FB0]  }
0x31: {  	[smem:$0x3FB9] =	sst s10  }
0x32: {  	s10 =	sld [smem:$0x3FB7];
	_ =	sdelay $0x3  }
0x33: {  	p0 =	seq.s32 s10, $0x1;
	s10 =	sld [smem:$0x3FB9];
	_ =	sdelay $0x3  }
0x34: {  	[smem:$0x3FB9] =	sst s10  }
0x35: {  	s10 =	sld [smem:$0x3FB8];
	_ =	sdelay $0x3  }
0x36: {  	p1 =	seq.s32 s10, $0x1;
	s10 =	sld [smem:$0x3FB9];
	_ =	sdelay $0x3  }
0x37: {  	[smem:$0x3FB9] =	sst s10  }
0x38: {  	s10 =	sld [smem:$0x3FBA]  }
0x39: {  	_ = 	snop;
	(pc) =	sbr.ind lr, $3  }
0x3a: {  	_ = 	snop  }
0x3b: {  	_ = 	snop  }
0x3c: {  	p2 =	seq.s32 s10, $0x1;
	s10 =	sld [smem:$0x3FB9]  }
0x3d: {  	_ =	shalt  }
0x3e: {  	_ =	shalt  }
0x3f: {  	_ =	shalt  }
0x40: {  	_ =	shalt  }
0x41: {  	_ =	shalt  }
0x42: {  	_ =	shalt  }
0x43: {  	_ =	shalt  }
0x44: {  	_ =	shalt  }
0x45: {  	_ =	shalt  }
0x46: {  	_ =	shalt  }
0x47: {  	_ =	shalt  }
0x48: {  	_ =	shalt  }
0x49: {  	_ =	shalt  }
0x4a: {  	_ =	shalt  }
0x4b: {  	_ =	shalt  }
0x4c: {  	_ =	shalt  }
0x4d: {  	_ =	shalt  }
0x4e: {  	_ =	shalt  }
0x4f: {  	_ =	shalt  }
0x50: {  	_ =	shalt  }
0x51: {  	_ =	shalt  }
0x52: {  	_ =	shalt  }
0x53: {  	_ =	shalt  }
0x54: {  	_ =	shalt  }
0x55: {  	_ =	shalt  }
0x56: {  	_ =	shalt  }
0x57: {  	_ =	shalt  }
0x58: {  	_ =	shalt  }
0x59: {  	_ =	shalt  }
0x5a: {  	_ =	shalt  }
0x5b: {  	_ =	shalt  }
0x5c: {  	_ =	shalt  }
0x5d: {  	_ =	shalt  }
0x5e: {  	_ =	shalt  }
0x5f: {  	_ =	shalt  }
0x60: {  	_ =	shalt  }
0x61: {  	_ =	shalt  }
0x62: {  	_ =	shalt  }
0x63: {  	_ =	shalt  }
0x64: {  	_ =	shalt  }
0x65: {  	_ =	shalt  }
0x66: {  	_ =	shalt  }
0x67: {  	_ =	shalt  }
0x68: {  	_ =	shalt  }
0x69: {  	_ =	shalt  }
0x6a: {  	_ =	shalt  }
0x6b: {  	_ =	shalt  }
0x6c: {  	_ =	shalt  }
0x6d: {  	_ =	shalt  }
0x6e: {  	_ =	shalt  }
0x6f: {  	_ =	shalt  }
0x70: {  	_ =	shalt  }
0x71: {  	_ =	shalt  }
0x72: {  	_ =	shalt  }
0x73: {  	_ =	shalt  }
0x74: {  	_ =	shalt  }
0x75: {  	_ =	shalt  }
0x76: {  	_ =	shalt  }
0x77: {  	_ =	shalt  }
0x78: {  	_ =	shalt  }
0x79: {  	_ =	shalt  }
0x7a: {  	_ =	shalt  }
0x7b: {  	_ =	shalt  }
0x7c: {  	_ =	shalt  }
0x7d: {  	_ =	shalt  }
0x7e: {  	_ =	shalt  }
0x7f: {  	_ =	shalt  }
0x80: {  	_ =	shalt  }
0x81: {  	_ =	shalt  }
0x82: {  	_ =	shalt  }
0x83: {  	_ =	shalt  }
0x84: {  	_ =	shalt  }
0x85: {  	_ =	shalt  }
0x86: {  	_ =	shalt  }
0x87: {  	_ =	shalt  }
.Lfunc_end0:
.L_simem_size_0:
called_computation_lowered:
.L_overlay_start_0:
0x88: {  	s2 =	sld [smem:$0x3FD9]  }
0x89: {  	s3 =	sld [smem:$0x3FFE];
	_ =	sdelay $0x1  }
0x8a: {  	s1 =	srdreg.scid  }
0x8b: {  	s0 =	sand.u32 $0x1, s1  }
0x8c: {  	s14 =	sshll.u32 s0, $0xA;
	s2 =	sadd.s32 s3, s2  }
0x8d: {  	s2 =	sadd.s32 s2, s14  }
0x8e: {  	[smem:$0x3FC5] =	sst s2  }
0x8f: {  	_ = 	snop  }
0x90: {  	s2 =	sld [smem:$0x3FD0];
	_ =	sdelay $0x2  }
0x91: {  	s15 =	simm.s32 $0xA;
	s4 =	simm.s32 $0x10  }
0x92: {  	[smem:s4], [sflag:s15] =	dma.local [hbm:s2], $0x1  }
0x93: {  	_ =	swait.eq [sflag:s15], $0x1  }
0x94: {  	[sflag:s15] =	ssyncset.done $0x0  }
0x95: {  	s16 =	sld [smem:$0x10];
	[sflag:s15] =	ssyncadd.s32 $0xFFFFFFFF  }
0x96: {  	s17 =	sld [smem:$0x11];
	(tm) =	ssettm $0x1  }
0x97: {  	s18 =	sld [smem:$0x3FFB];
	_ =	sdelay $0x3  }
0x98: {  	_ =	strace s18  }
0x99: {  	s4 =	sld [smem:$0x3FFC];
	_ =	sdelay $0x3  }
0x9a: {  	_ =	strace s4  }
0x9b: {  	s4 =	sld [smem:$0x3FFD];
	_ =	sdelay $0x3  }
0x9c: {  	_ =	strace s4  }
0x9d: {  	_ =	strace $0x8FFFFFFF  }
0x9e: {  	s19 =	sld [smem:$0x3FDB];
	_ =	sdelay $0x1  }
0x9f: {  	s5 =	simm.s32 $_scs_section_size  }
0xa0: {  	s6 =	simm.s32 $_size__tile_overlayer_lowered;
	s7 =	simm.s32 $_tile_overlayer_lowered  }
0xa1: {  	s22 =	simm.s32 $0x1BFF;
	s21 =	sshll.u32 s7, $0x1;
	s4 =	sadd.s32 s5, s19  }
0xa2: {  	s8 =	simm.s32 $0x0;
	s20 =	sshll.u32 s6, $0x1;
	s6 =	sadd.s32 s21, s4  }
0xa3: {  	[timem:s8], [sflag:s22] =	dma.local [hbm:s6], s20  }
0xa4: {  	_ =	swait.ge [sflag:s22], s20  }
0xa5: {  	s5 =	ssub.s32 $0x0, s20;
	[sflag:s22] =	ssyncset.done $0x0  }
0xa6: {  	[sflag:s22] =	ssyncadd.s32 s5;
	_ =	sdelay $0x1  }
0xa7: {  	s23 =	simm.s32 $0x1B8B  }
0xa8: {  	_ =	swait.ge [sflag:s23], $0x1  }
0xa9: {  	[sflag:s23] =	ssyncset.done $0x0  }
0xaa: {  	s25 =	simm.s32 $0x1B8E;
	s24 =	sld [smem:$0x3FFE];
	[sflag:s23] =	ssyncadd.s32 $0xFFFFFFFF  }
0xab: {  	s26 =	simm.s32 $execute0_lowered;
	[smem:$0x3FD2] =	sst s25  }
0xac: {  	s6 =	sshll.u32 s26, $0x1;
	_ =	strace $0x80000049;
	[dreg:$0x1] =	wrdreg $0xFFFFFFFF  }
0xad: {  	s28 =	simm.s32 $_size_execute0_lowered;
	s4 =	sadd.s32 s4, s6;
	[dreg:$0x0] =	wrdreg $0x0  }
0xae: {  	s6 =	sshll.u32 s28, $0x1;
	[dreg:$0x2] =	wrdreg s4  }
0xaf: {  	[dreg:$0x3] =	wrdreg s6  }
0xb0: {  	[dreg:$0x4] =	wrdreg $0xC0  }
0xb1: {  	_ =	task [dreg:s8], $0x5FFFF  }
0xb2: {  	[dreg:$0x1] =	wrdreg $0xFFFFFFFF  }
0xb3: {  	[dreg:$0x0] =	wrdreg $0x60  }
0xb4: {  	[dreg:$0x2] =	wrdreg s17  }
0xb5: {  	[dreg:$0x3] =	wrdreg s16  }
0xb6: {  	[dreg:$0x4] =	wrdreg s24  }
0xb7: {  	[dreg:$0x5] =	wrdreg $0x9  }
0xb8: {  	_ =	task.clear_ibuf [dreg:s8], $0x6FFFF;
	_ =	strace $0x90000049  }
0xb9: {  	s29 =	simm.s32 $0x9;
	_ =	strace $0x8000004B  }
0xba: {  	_ =	swait.ge [sflag:s29], $0x1  }
0xbb: {  	[sflag:s29] =	ssyncadd.s32 $0xFFFFFFFF  }
0xbc: {  	_ =	strace $0x9000004B  }
0xbd: {  	_ =	sfence  }
0xbe: {  	s30 =	sld [smem:$0x0];
	_ =	sdelay $0x2  }
0xbf: {  	s31 =	sshll.u32 s1, $0xD;
	s1 =	sshrl.u32 s1, $0x2  }
0xc0: {  	s3 =	sand.u32 $0x4000, s31;
	s1 =	sadd.s32 s1, s30  }
0xc1: {  	s0 =	sor.u32 s3, s0;
	s1 =	sshll.u32 s1, $0x11  }
0xc2: {  	s0 =	sor.u32 s1, s0  }
0xc3: {  	s0 =	sadd.s32 $0x8F2B, s0  }
0xc4: {  	[sflag:s0] =	ssyncadd.remote.s32 $0x1  }
0xc5: {  	_ =	sfence.sel $0xFFFF  }
0xc6: {  	[dreg:$0x0] =	wrdreg $0xFFFFFFFF;
	(pc) =	sbr.abs _section_cstart, $3  }
0xc7: {  	[dreg:$0x1] =	wrdreg $0xFFFFFFFF  }
0xc8: {  	_ =	task.clear_ibuf [dreg:s8], $0x2FFFF;
	_ =	strace $0x9FFFFFFF  }
0xc9: {  	(tm) =	ssettm $0x7FFFFFFF  }
tec
execute0_lowered:
.L_overlay_start_1:
0x0: {  	(tag) =	ssettag $0x1  }
0x1: {  	s0 =	srdreg.scid  }
0x2: {  	s1 =	sshll.u32 s0, $0x4  }
0x3: {  	s0 =	stileid.u32;
	s1 =	sand.u32 $0x10, s1  }
0x4: {  	s2 =	sor.u32 s0, s1  }
0x5: {  	s1 =	smin.u32 s2, $0x12  }
0x6: {  	s1 =	sadd.s32 s2, s1  }
0x7: {  	p0 =	slt.u32 s2, $0x12;
	s2 =	simm.s32 $0x320;
	s1 =	smul.u32 $0x190, s1  }
0x8: {  	s2 =	simm.s32 @!p0 $0x190  }
0x9: {  	s2 =	sadd.s32 s2, s1  }
0xa: {  	s3 =	smin.u32 s2, $0x4E20  }
0xb: {  	s7 =	ssub.s32 s3, s1  }
0xc: {  	p0 =	sgt.s32 s7, $0x0  }
0xd: {  	s7 =	simm.s32 @!p0 $0x0  }
0xe: {  	s31 =	sand.u32 $0xFFF0, s7  }
0xf: {  	s4 =	rddreg [dreg:$0x0];
	s2 =	sshrl.u32 s31, $0x4  }
0x10: {  	s5 =	rddreg [dreg:$0x1];
	s2 =	smul.u32 $0xA3E, s2  }
0x11: {  	s9 =	rddreg [dreg:$0x2]  }
0x12: {  	s6 =	simm.s32 $0x1;
	s11 =	simm.s32 $0x3;
	s8 =	sshrl.u32 s2, $0x10  }
0x13: {  	s13 =	simm.s32 $0x0;
	s12 =	simm.s32 $0x0;
	s10 =	smul.u32 $0x190, s8  }
.Ltmp0:
0x14: {  	s9 =	sadd.s32 $0xA0A00, s9;
	s2 =	rddreg [dreg:$0x3];
	(pc) =	sbr.rel .LBB2_1-.Ltmp0, $4  }
0x15: {  	_ =	strace $0x8000004A;
	p0 =	sne.s32 s7, s10;
	s10 =	simm.s32 $0x1  }
0x16: {  	[sflag:s6] =	ssyncpa.u1 $0x0;
	s7 =	simm.s32 $0x2;
	s10 =	simm.s32 @!p0 $0x0  }
0x17: {  	[sflag:s7] =	ssyncpa.u1 $0x0;
	p0 =	por $0x0, $0x0;
	s8 =	sadd.s32 s8, s10  }
0x18: {  	vm0 =	vmmov $0xff;
	vm1 =	vcmask $0x3F20;
	[sflag:s11] =	ssyncpa.u1 $0x0;
	s11 =	smov.u32 s1;
	s10 =	sadd.s32 $0x1, s8  }
.LBB2_6:
0x19: {  	[hbm:s17] =	stream.linear.scatter [tilespmem:s14], [sflag:$0x3], $0x400, $0x38;
	[tilespmem:$0x19320] =	vst v63  }
.LBB2_7:
0x1a: {  	s13 =	sadd.s32 $0x190, s11  }
0x1b: {  	s15 =	smov.u32 s1;
	p2 =	slt.s32 s13, s3  }
0x1c: {  	s15 =	smov.u32 @p2 s13;
	p2 =	sne.s32 s12, s10  }
.Ltmp1:
0x1d: {  	p1 =	slt.u32 s12, $0x2;
	(pc) =	sbr.rel @!p2 .LBB2_8-.Ltmp1, $4  }
0x1e: {  	s14 =	simm.s32 @!p1 $0x3  }
0x1f: {  	s16 =	sadd.s32 $0x1, s12;
	_ =	swait.ge @!p1 [sflag:s14], $0xC800  }
0x20: {  	p0 =	por !p0, !p0;
	s13 =	smov.u32 s11;
	[sflag:s14] =	ssyncset.done @!p1 $0x0  }
0x21: {  	s12 =	smov.u32 s16;
	s11 =	smov.u32 s15;
	[sflag:s14] =	ssyncadd.s32 @!p1 $0xFFFF3800  }
.LBB2_1:
0x22: {  	p1 =	sge.u32 s12, s8  }
0x23: {  	s14 =	sxor.u32 @!p1 $0xFFFFFFFF, s12  }
0x24: {  	s14 =	sand.u32 @!p1 $0x1, s14  }
0x25: {  	s14 =	smul.u32 @!p1 $0x640, s14  }
0x26: {  	s31 =	sadd.s32 $0xFFFFFFFF, s12;
	s15 =	sshrl.u32 @!p1 s11, $0x3  }
0x27: {  	s16 =	sand.u32 @!p1 $0x7, s11;
	s15 =	sadd.s32 @!p1 s5, s15;
	s14 =	sshrl.u32 @!p1 s14, $0x2  }
0x28: {  	[tilespmem:s14], [sflag:$0x2] =	stream.linear.gather @!p1 [hbm4b:s15+s16], $0x190, $0x38;
	[tilespmem:$0x19320] =	vst v63  }
0x29: {  	p1 =	sge.u32 s31, s8  }
.Ltmp2:
0x2a: {  	_ = 	snop;
	(pc) =	sbr.rel @p1 .LBB2_7-.Ltmp2, $1  }
0x2b: {  	_ =	sdelay $0x3  }
0x2c: {  	s14 =	simm.s32 $0x1  }
0x2d: {  	s14 =	simm.s32 @!p0 $0x0  }
0x2e: {  	s15 =	smul.u32 $0x640, s14  }
0x2f: {  	_ =	swait.ge [sflag:s7], $0x190  }
0x30: {  	[sflag:s7] =	ssyncset.done $0x0;
	s16 =	sshrl.u32 s15, $0x2  }
0x31: {  	[sflag:s7] =	ssyncadd.s32 $0xFFFFFE70;
	s15 =	sadd.s32 $0x0, s16  }
0x32: {  	v0 =	vld.msk [tilespmem:s15+$0x0 ss:$0x1], $0xffff;
	_ =	sdelay $0x4  }
0x33: {  	v1 =	vand.u32 $0x3, v0;
	v2 =	vshll.u32 v0, $0x5  }
0x34: {  	vm2 =	veq.s32 v0, $0x80000000;
	v0 =	vmul.u32 $0x9C400, v1;
	v1 =	vand.u32 $0xFFF80, v2  }
0x35: {  	v1 =	vsel vm2, $0xFFFFFF80, v1  }
0x36: {  	v0 =	vsel vm2, $0xFFF63C00, v0;
	v2 =	vand.u32 $0xFFFFFC00, v1  }
0x37: {  	v1 =	vand.u32 $0x380, v1;
	v0 =	vadd.s32 v0, v2  }
0x38: {  	v0 =	vor.u32 v1, v0  }
0x39: {  	v0 =	vshrl.u32 v0, $0x3  }
0x3a: {  	s14 =	smul.u32 $0x32000, s14;
	_ =	sdelay $0x1  }
0x3b: {  	s14 =	sshrl.u32 s14, $0x2  }
0x3c: {  	s14 =	sor.u32 $0x320, s14  }
0x3d: {  	[tilespmem:s14], [sflag:$0x1] =	stream.indirect_vreg.gather [hbm:s4], $0x80, v0, vm0, $0x38;
	[tilespmem:$0x19320] =	vst v63  }
0x3e: {  	s17 =	sadd.s32 $0x10, s16;
	s15 =	sadd.s32 $0x400, s14  }
0x3f: {  	[tilespmem:s15], [sflag:$0x1] =	stream.indirect_vreg.gather [hbm:s4], $0x80, v0, vm1, $0x38;
	[tilespmem:$0x19320] =	vst v63  }
0x40: {  	s18 =	simm.s32 $0x80;
	v0 =	vld.msk [tilespmem:s17+$0x0 ss:$0x1], $0xffff;
	s17 =	smov.u32 s14  }
.LBB2_3:
0x41: {  	p1 =	sne.s32 s18, $0x600;
	_ =	sdelay $0x4  }
0x42: {  	v1 =	vand.u32 $0x3, v0;
	v2 =	vshll.u32 v0, $0x5  }
0x43: {  	vm2 =	veq.s32 v0, $0x80000000;
	v0 =	vmul.u32 $0x9C400, v1;
	v1 =	vand.u32 $0xFFF80, v2  }
0x44: {  	v1 =	vsel vm2, $0xFFFFFF80, v1  }
0x45: {  	v0 =	vsel vm2, $0xFFF63C00, v0;
	v2 =	vand.u32 $0xFFFFFC00, v1  }
0x46: {  	v1 =	vand.u32 $0x380, v1;
	v0 =	vadd.s32 v0, v2  }
0x47: {  	v0 =	vor.u32 v1, v0  }
0x48: {  	v0 =	vshrl.u32 v0, $0x3;
	_ =	sdelay $0x3  }
.Ltmp3:
0x49: {  	s19 =	sshra.s32 s18, $0x2;
	s17 =	sadd.s32 $0x800, s17;
	(pc) =	sbr.rel @p1 .LBB2_3-.Ltmp3, $4  }
0x4a: {  	[tilespmem:s17], [sflag:$0x1] =	stream.indirect_vreg.gather [hbm:s4], $0x80, v0, vm0, $0x38;
	[tilespmem:$0x19320] =	vst v63  }
0x4b: {  	s19 =	sadd.s32 s19, s16;
	s20 =	sadd.s32 $0x400, s17  }
0x4c: {  	[tilespmem:s20], [sflag:$0x1] =	stream.indirect_vreg.gather [hbm:s4], $0x80, v0, vm1, $0x38;
	[tilespmem:$0x19320] =	vst v63  }
0x4d: {  	s18 =	sadd.s32 $0x40, s18;
	v0 =	vld.msk [tilespmem:s19+$0x0 ss:$0x1], $0xffff  }
0x4e: {  	_ =	sdelay $0x3  }
0x4f: {  	v1 =	vand.u32 $0x3, v0;
	v2 =	vshll.u32 v0, $0x5  }
0x50: {  	vm2 =	veq.s32 v0, $0x80000000;
	v61 =	vmul.u32 $0x9C400, v1;
	v62 =	vand.u32 $0xFFF80, v2  }
0x51: {  	v1 =	vsel vm2, $0xFFFFFF80, v62  }
0x52: {  	v0 =	vsel vm2, $0xFFF63C00, v61;
	v63 =	vand.u32 $0xFFFFFC00, v1  }
0x53: {  	v1 =	vand.u32 $0x380, v1;
	v0 =	vadd.s32 v0, v63  }
0x54: {  	v0 =	vor.u32 v1, v0  }
0x55: {  	v0 =	vshrl.u32 v0, $0x3;
	_ =	sdelay $0x3  }
0x56: {  	s16 =	sadd.s32 $0x800, s17  }
0x57: {  	[tilespmem:s16], [sflag:$0x1] =	stream.indirect_vreg.gather [hbm:s4], $0x80, v0, vm0, $0x38;
	[tilespmem:$0x19320] =	vst v63  }
0x58: {  	s16 =	sadd.s32 $0x400, s16  }
0x59: {  	[tilespmem:s16], [sflag:$0x1] =	stream.indirect_vreg.gather [hbm:s4], $0x80, v0, vm1, $0x38;
	[tilespmem:$0x19320] =	vst v63  }
0x5a: {  	s13 =	sshll.u32 s13, $0x4;
	_ =	swait.ge [sflag:s6], $0xC800  }
0x5b: {  	s13 =	sadd.s32 s13, s9;
	[sflag:s6] =	ssyncset.done $0x0  }
0x5c: {  	s17 =	sadd.s32 $0x0, s13;
	s16 =	simm.s32 $0x80;
	[sflag:s6] =	ssyncadd.s32 $0xFFFF3800  }
.LBB2_5:
0x5d: {  	[hbm:s17] =	stream.linear.scatter [tilespmem:s14], [sflag:$0x3], $0x400, $0x38;
	[tilespmem:$0x19320] =	vst v63  }
0x5e: {  	s17 =	smov.u32 s16;
	s14 =	smov.u32 s15;
	p1 =	sne.s32 s16, $0x1880  }
.Ltmp4:
0x5f: {  	s16 =	sadd.s32 $0x80, s16;
	(pc) =	sbr.rel @p1 .LBB2_5-.Ltmp4, $2  }
0x60: {  	_ =	sdelay $0x2  }
0x61: {  	s15 =	sadd.s32 $0x400, s15;
	s17 =	sadd.s32 s17, s13  }
.Ltmp5:
0x62: {  	_ = 	snop;
	(pc) =	sbr.rel .LBB2_6-.Ltmp5, $1  }
0x63: {  	_ =	sdelay $0x3  }
.LBB2_8:
0x64: {  	_ =	sfence.sel $0x180000  }
0x65: {  	s1 =	simm.s32 $0x2;
	[bflag:$0x0] =	sbarrier.arrive $0xFFFF  }
0x66: {  	s30 =	simm.s32 $0x3;
	[sflag:s1] =	ssyncpa.u1 $0x1  }
0x67: {  	s31 =	simm.s32 $0x1;
	[sflag:s30] =	ssyncpa.u1 $0x1  }
0x68: {  	[sflag:s31] =	ssyncpa.u1 $0x1  }
0x69: {  	p0 =	sne.s32 s0, $0x0;
	_ =	strace $0x9000004A  }
0x6a: {  	s0 =	sadd.s32 @!p0 $0x100000, s2;
	[bflag:$0x2] =	sbarrier.arrive $0xFFFF  }
0x6b: {  	[sflag:s0] =	ssyncadd.tile.s32 @!p0 $0x1;
	_ =	shalt  }
.Lfunc_end2:
_tile_overlayer_lowered:
.L_overlay_start_2:
0x6c: {  	(tag) =	ssettag $0x2  }
0x6d: {  	s0 =	rddreg [dreg:$0x0];
	s2 =	stileid.u32  }
0x6e: {  	s1 =	rddreg [dreg:$0x1];
	p0 =	sne.s32 s2, $0x0  }
0x6f: {  	s3 =	rddreg [dreg:$0x2];
	[bflag:$0x3] =	sbarrier.arrive $0xFFFF;
	s2 =	simm.s32 @!p0 $0x1C01  }
0x70: {  	[timem:s3], [sflag:s2] =	dma.local @!p0 [hbm:s0], s1  }
0x71: {  	s0 =	simm.s32 @!p0 $0x1  }
0x72: {  	_ =	swait.ge @!p0 [sflag:s0], s1  }
0x73: {  	s1 =	ssub.s32 @!p0 $0x0, s1;
	[sflag:s0] =	ssyncset.done @!p0 $0x0  }
0x74: {  	[sflag:s0] =	ssyncadd.s32 @!p0 s1  }
0x75: {  	[bflag:$0x3] =	sbarrier.arrive $0xFFFF  }
0x76: {  	_ =	shalt  }

</sc_bundles>
